<compile_context>
chip_gen: v7x
topology: tpu7x:2x2x1
jax: 0.10.2.dev20260603
libtpu: 0.0.44.dev20260713+nightly
codegen_flags: <defaults>
</compile_context>

<pallas_src>
import functools

import jax
import jax.numpy as jnp
import numpy as np
from jax import lax
from jax.experimental import pallas as pl
from jax.experimental.pallas import tpu as pltpu
from jax.experimental.pallas import tpu_sc as plsc

B = 128
T = 16
NSEG = 96
NL = 12
ST = 8
D = 1280
BB = 32
NK = ST * (NL - 1)


def _seg_sum_mat():
    m = np.zeros((8 * T, 8 * T), np.float32)
    for s in range(ST):
        m[s * T:(s + 1) * T, s * T:(s + 1) * T] = 1.0
    return m


def _fold_mat():
    m = np.zeros((8 * T, T), np.float32)
    for l in range(8 * T):
        m[l, l % T] = 1.0
    return m


_SEG_M = _seg_sum_mat()
_FOLD_M = _fold_mat()


def _tc_body(w_ref, g_ref, gf_ref, segm_ref,
             foldm_ref, mc_ref, idx_ref):
    w = w_ref[...]
    ccols = [w[:, 0:1]]
    for t in range(1, T):
        ccols.append(ccols[-1] + w[:, t:t + 1])
    cums = jnp.concatenate(ccols, axis=1)
    g = g_ref[...]
    lw = jnp.log(w + 1e-10)
    lwt = jnp.concatenate([lw] * ST, axis=1)
    wt = jnp.concatenate([w] * ST, axis=1)

    p = lwt[:, None, :] + g
    lane = lax.broadcasted_iota(jnp.int32, (1, 1, 8 * T), 2)
    rank = jnp.zeros((BB, NL - 1, 8 * T), jnp.float32)
    for r in range(1, T):
        ra = pltpu.roll(p, 8 * T - r, 2)
        rb = pltpu.roll(p, T - r, 2)
        tmask = (lane % T) < (T - r)
        partner = jnp.where(tmask, ra, rb)
        rank = rank + (partner > p).astype(jnp.float32)
    ivec = lax.broadcasted_iota(jnp.int32, (BB, NL - 1, 8 * T), 1) + 1
    keep = (rank >= ivec.astype(jnp.float32)).astype(jnp.float32)
    nw = wt[:, None, :] * keep
    nw2 = nw.reshape(BB * (NL - 1), 8 * T)
    denom = jax.lax.dot(nw2, segm_ref[...],
                        precision=jax.lax.Precision.HIGHEST)
    contrib = (nw2 / denom).reshape(BB, NL - 1, 8 * T)
    csum = jnp.sum(contrib, axis=1)
    vsum = jax.lax.dot(csum, foldm_ref[...],
                       precision=jax.lax.Precision.HIGHEST)
    wsum = jnp.sum(w, axis=1, keepdims=True)
    v = (vsum + float(ST) * (w / wsum)) * (1.0 / float(ST * NL))

    gf2 = gf_ref[...].reshape(BB * T, D)
    vt = jnp.concatenate([v] * BB, axis=1)
    lane2 = lax.broadcasted_iota(jnp.int32, (BB, BB * T), 1)
    row2 = lax.broadcasted_iota(jnp.int32, (BB, BB * T), 0)
    vexp = jnp.where(lane2 // T == row2, vt, 0.0)
    mc_ref[...] = jax.lax.dot(vexp, gf2)

    jthr = (lax.broadcasted_iota(jnp.int32, (BB, NL), 1).astype(jnp.float32)
            + 0.5) / float(NL)
    cumsb = cums[:, None, :]
    thrb = jthr[:, :, None]
    laneT = lax.broadcasted_iota(jnp.int32, (1, 1, T), 2)
    valid = laneT < (T - 1)
    ltj = (cumsb < thrb) & valid
    fc = jnp.sum(ltj.astype(jnp.int32), axis=2)
    y1 = jnp.maximum(jnp.max(jnp.where(ltj, cumsb, -1.0), axis=2), 0.0)
    gej = jnp.logical_not(cumsb < thrb) & valid
    y2 = jnp.minimum(jnp.min(jnp.where(gej, cumsb, 3.0), axis=2), 1.0)
    x1 = fc.astype(jnp.float32) / float(T)
    x2 = (fc + 1).astype(jnp.float32) / float(T)
    quant = (x2 * (jthr - y1) - x1 * (jthr - y2)) / (y2 - y1)
    ints = jnp.floor(quant * float(NSEG)).astype(jnp.int32)

    cols = [jnp.maximum(ints[:, 0:1], 0)]
    for i in range(1, NL):
        prev = cols[-1]
        cur = ints[:, i:i + 1]
        cols.append(jnp.where(cur > prev, cur, prev + 1))
    intsm = jnp.concatenate(cols, axis=1)
    lim = (NSEG - NL) + lax.broadcasted_iota(jnp.int32, (BB, NL), 1)
    intsm = jnp.maximum(jnp.minimum(intsm, lim), 0)
    brow = pl.program_id(0) * BB + lax.broadcasted_iota(jnp.int32, (BB, NL), 0)
    idx_ref[...] = intsm + brow * NSEG


_NC = 2
_NS = 16
_NW = _NC * _NS
_BPW = (B * NL) // _NW
_MCW = B // _NW


def _sc_gather_body(table_hbm, idx_hbm, mc_hbm, out_hbm, idx_v, rows_v, mc_v,
                    sem):
    wid = lax.axis_index("s") * _NC + lax.axis_index("c")
    base = wid * _BPW
    pltpu.sync_copy(idx_hbm.at[pl.ds(base, _BPW)], idx_v)
    cp = pltpu.async_copy(table_hbm.at[idx_v], rows_v, sem)
    pltpu.sync_copy(mc_hbm.at[pl.ds(wid * _MCW, _MCW)], mc_v)
    pltpu.sync_copy(mc_v, out_hbm.at[pl.ds(wid * _MCW, _MCW)])
    cp.wait()
    pltpu.sync_copy(rows_v, out_hbm.at[pl.ds(B + base, _BPW)])


def _sc_gather(table, idx, mc):
    run = functools.partial(
        pl.kernel,
        mesh=plsc.VectorSubcoreMesh(
            core_axis_name="c", subcore_axis_name="s",
            num_cores=_NC, num_subcores=_NS),
        out_type=jax.ShapeDtypeStruct((B + B * NL, D), jnp.float32),
        scratch_types=[
            pltpu.VMEM((_BPW,), jnp.int32),
            pltpu.VMEM((_BPW, D), jnp.float32),
            pltpu.VMEM((_MCW, D), jnp.float32),
            pltpu.SemaphoreType.DMA,
        ],
    )(_sc_gather_body)
    return run(table, idx, mc)


def _threefry2x32(k1, k2, x1, x2):
    rotl = lambda x, d: (x << np.uint32(d)) | (x >> np.uint32(32 - d))
    ks = (k1, k2, k1 ^ k2 ^ np.uint32(0x1BD11BDA))
    rotations = ((13, 15, 26, 6), (17, 29, 16, 24))
    x1 = x1 + ks[0]
    x2 = x2 + ks[1]
    for i in range(5):
        for r in rotations[i % 2]:
            x1 = x1 + x2
            x2 = rotl(x2, r)
            x2 = x2 ^ x1
        x1 = x1 + ks[(i + 1) % 3]
        x2 = x2 + ks[(i + 2) % 3] + np.uint32(i + 1)
    return x1, x2


def _gumbel_tables():
    k1, k2 = np.uint32(0), np.uint32(42)
    gs = []
    for i in range(1, NL):
        f1, f2 = _threefry2x32(k1, k2, np.uint32(0), np.uint32(i))
        n = B * ST * T
        c = np.arange(n, dtype=np.uint32)
        o1, o2 = _threefry2x32(f1, f2, np.zeros(n, np.uint32), c)
        bits = o1 ^ o2
        u = ((bits >> np.uint32(9)) | np.uint32(0x3F800000)).view(np.float32)
        u = np.maximum(np.float32(0.0), u - np.float32(1.0))
        u = u.reshape(B * ST, T)
        gi = -np.log(-np.log(u + np.float32(1e-10)) + np.float32(1e-10))
        gs.append(gi.astype(np.float32).reshape(B, ST, T))
    return np.stack(gs, axis=1).reshape(B, NL - 1, ST * T)


_G_TABLE = _gumbel_tables()


def kernel(logits, global_feat, input_feat):
    w = jax.nn.softmax(logits, axis=1)
    g = jnp.asarray(_G_TABLE)

    mc, idx = pl.pallas_call(
        _tc_body,
        grid=(B // BB,),
        in_specs=[
            pl.BlockSpec((BB, T), lambda i: (i, 0)),
            pl.BlockSpec((BB, NL - 1, ST * T), lambda i: (i, 0, 0)),
            pl.BlockSpec((BB, T, D), lambda i: (i, 0, 0)),
            pl.BlockSpec((ST * T, ST * T), lambda i: (0, 0)),
            pl.BlockSpec((ST * T, T), lambda i: (0, 0)),
        ],
        out_specs=[
            pl.BlockSpec((BB, D), lambda i: (i, 0)),
            pl.BlockSpec((BB, NL), lambda i: (i, 0)),
        ],
        out_shape=[
            jax.ShapeDtypeStruct((B, D), jnp.float32),
            jax.ShapeDtypeStruct((B, NL), jnp.int32),
        ],
    )(w, g, global_feat,
      jnp.asarray(_SEG_M), jnp.asarray(_FOLD_M))

    return _sc_gather(input_feat, idx.reshape(-1), mc)

# --- scband reference (transcript-rebuilt; emitter-appended) ---
"""Pipeline reference for scband-ada-focus-67723044323376 (READ-ONLY COPY).

The authoritative reference and input builder live on the scoring server;
editing this copy changes nothing except your own understanding.
"""

import jax, jax.numpy as jnp
import numpy as np

NUM_SEGMENTS = 96
NUM_GLANCE = 16
NUM_LOCAL = 12
SAMPLE_TIMES = 8
D_FEAT = 1280


def cal_x(x1, y1, x2, y2, y):
    return (x2 * (y - y1) - x1 * (y - y2)) / (y2 - y1)


def policy_sample_indices(weights, num_segments, num_global_segments, num_local_segments):
    b, T = weights.shape
    integrated = jnp.cumsum(weights, axis=1)
    integrated = jnp.concatenate([jnp.zeros((b, 1), dtype=weights.dtype), integrated], axis=1)
    integrated = integrated.at[:, -1].set(1.0)
    threshold = jnp.tile(jnp.arange(num_local_segments, dtype=jnp.float32)[None, :], (b, 1))
    threshold = (threshold + 0.5) / num_local_segments  # deterministic (rand_sample=False)
    cmp = integrated[:, :, None] >= threshold[:, None, :]
    first_cur = jnp.argmax(cmp, axis=1) - 1  # [b, L]
    x1 = first_cur.astype(jnp.float32) / num_global_segments
    y1 = jnp.take_along_axis(integrated, first_cur, axis=1)
    x2 = (first_cur + 1).astype(jnp.float32) / num_global_segments
    y2 = jnp.take_along_axis(integrated, first_cur + 1, axis=1)
    quantile = cal_x(x1, y1, x2, y2, threshold)
    real_indices = quantile * num_segments
    int_indices = jnp.floor(real_indices).astype(jnp.int32)
    cols = [jnp.maximum(int_indices[:, 0], 0)]
    for i in range(1, num_local_segments):
        prev = cols[-1]
        cur = jnp.where(int_indices[:, i] > prev, int_indices[:, i], prev + 1)
        cols.append(cur)
    int_indices = jnp.stack(cols, axis=1)
    lim = num_segments - num_local_segments + jnp.arange(num_local_segments, dtype=jnp.int32)
    int_indices = jnp.minimum(int_indices, lim[None, :])
    int_indices = jnp.maximum(int_indices, 0)
    offset = jnp.arange(b, dtype=jnp.int32)[:, None] * num_segments
    return (int_indices + offset).reshape(-1)


def mc_sample_feature(global_feat, weights, global_feature_dim, T1, sample_times, key):
    B, T = weights.shape
    gf = global_feat.reshape(B, -1, global_feature_dim)
    all_weights = jnp.repeat(weights[:, None, :], sample_times, axis=1).reshape(-1, T)
    new_feat = jnp.repeat(gf[:, None, :, :], sample_times, axis=1).reshape(-1, T, global_feature_dim)
    sum_feat = jnp.zeros((B * sample_times, global_feature_dim), dtype=jnp.float32)
    N = all_weights.shape[0]
    rows = jnp.arange(N)[:, None]
    for i in range(T1):
        new_weights = all_weights
        if i > 0:
            ki = jax.random.fold_in(key, i)
            u = jax.random.uniform(ki, all_weights.shape)
            g = -jnp.log(-jnp.log(u + 1e-10) + 1e-10)
            perturbed = jnp.log(all_weights + 1e-10) + g
            _, idx = jax.lax.top_k(perturbed, i)  # multinomial w/o replacement (Gumbel top-k)
            mask = jnp.zeros_like(all_weights).at[rows, idx].set(1.0)
            new_weights = all_weights * (1.0 - mask)
        frame_feat = (new_feat * new_weights[:, :, None]).sum(axis=1)
        frame_feat = frame_feat / jax.lax.stop_gradient(new_weights.sum(axis=1))[:, None]
        sum_feat = sum_feat + frame_feat
    sum_feat = sum_feat / T1
    return sum_feat.reshape(B, sample_times, global_feature_dim).mean(axis=1)


def setup_inputs(seed: int = 0):
    key = jax.random.key(seed)
    k1, k2, k3 = jax.random.split(key, 3)
    logits = jax.random.normal(k1, (128, NUM_GLANCE), dtype=jnp.float32)
    global_feat = jax.random.normal(k2, (128, NUM_GLANCE, D_FEAT), dtype=jnp.float32)
    input_feat = jax.random.normal(k3, (128 * NUM_SEGMENTS, D_FEAT), dtype=jnp.float32)
    return {"logits": logits, "global_feat": global_feat, "input_feat": input_feat}


def reference(logits, global_feat, input_feat):
    x1 = jax.nn.softmax(logits, axis=1)  # TemporalPolicy softmax weights
    idx = policy_sample_indices(x1, NUM_SEGMENTS, NUM_GLANCE, NUM_LOCAL)
    sampled = jnp.take(input_feat, idx, axis=0)  # gather focus-frame features
    mc = mc_sample_feature(global_feat, x1, D_FEAT, NUM_LOCAL, SAMPLE_TIMES, jax.random.key(42))
    return jnp.concatenate([mc, sampled], axis=0)

if __name__ == "__main__":
    import jax
    _d = setup_inputs()
    print(jax.jit(kernel)(*tuple(_d.values())))

</pallas_src>

<mosaic_0001>
#map = affine_map<(d0, d1) -> (0, 0)>
#map1 = affine_map<(d0, d1) -> (0)>
module attributes {stable_mosaic.version = 14 : i64} {
  func.func @_sc_gather_body(%arg0: i32, %arg1: i32, %arg2: memref<12288x1280xf32, #tpu.memory_space<hbm>>, %arg3: memref<1536xi32, #tpu.memory_space<hbm>>, %arg4: memref<128x1280xf32, #tpu.memory_space<hbm>>, %arg5: memref<1664x1280xf32, #tpu.memory_space<hbm>>, %arg6: memref<48xi32, #tpu.memory_space<vmem>>, %arg7: memref<48x1280xf32, #tpu.memory_space<vmem>>, %arg8: memref<4x1280xf32, #tpu.memory_space<vmem>>, %arg9: memref<!tpu.dma_semaphore, #tpu.memory_space<semaphore_mem>>) attributes {dimension_semantics = [#tpu.dimension_semantics<core_parallel>, #tpu.dimension_semantics<subcore_parallel>], iteration_bounds = array<i64: 2, 16>, scalar_prefetch = 0 : i64, scratch_operands = 4 : i64, tpu.core_type = #tpu.core_type<sc_vector_subcore>, window_params = [{transform_indices = #map}, {transform_indices = #map1}, {transform_indices = #map}, {transform_indices = #map}]} {
    %mul3A = arith.constant 2 : i32
    %mul3A_0 = arith.muli %arg1, %mul3A : i32
    %add3A = arith.addi %mul3A_0, %arg0 : i32
    %mul3A_1 = arith.constant 48 : i32
    %mul3A_2 = arith.muli %add3A, %mul3A_1 : i32
    "tpu.region"() ({
      %run_scoped3A = tpu.sem_alloc : memref<!tpu.dma_semaphore, #tpu.memory_space<semaphore_mem>>
      %dma_start3A_13 = tpu.memref_slice %arg3[%mul3A_2] : memref<1536xi32, #tpu.memory_space<hbm>> -> memref<48xi32, #tpu.memory_space<hbm>>
      %dma_start3A_14 = tpu.memref_slice %arg3[%mul3A_2] : memref<1536xi32, #tpu.memory_space<hbm>> -> memref<48xi32, #tpu.memory_space<hbm>>
      tpu.enqueue_dma source(%dma_start3A_14 : memref<48xi32, #tpu.memory_space<hbm>>) target(%arg6 : memref<48xi32, #tpu.memory_space<vmem>>) target_semaphore(%run_scoped3A : memref<!tpu.dma_semaphore, #tpu.memory_space<semaphore_mem>>)
      %dma_wait3A_15 = tpu.memref_slice %arg3[%mul3A_2] : memref<1536xi32, #tpu.memory_space<hbm>> -> memref<48xi32, #tpu.memory_space<hbm>>
      %dma_wait3A_16 = tpu.memref_slice %arg3[%mul3A_2] : memref<1536xi32, #tpu.memory_space<hbm>> -> memref<48xi32, #tpu.memory_space<hbm>>
      tpu.wait_dma2 semaphore(%run_scoped3A : memref<!tpu.dma_semaphore, #tpu.memory_space<semaphore_mem>>) src(%dma_wait3A_16 : memref<48xi32, #tpu.memory_space<hbm>>) dst(%arg6 : memref<48xi32, #tpu.memory_space<vmem>>)
      tpu.yield
    }) : () -> ()
    %dma_start3A = arith.constant 0 : i32
    %dma_start3A_3 = arith.constant 0 : i32
    %dma_start3A_4 = tpu.memref_slice %arg2[%dma_start3A, %dma_start3A_3] : memref<12288x1280xf32, #tpu.memory_space<hbm>> -> memref<12288x1280xf32, #tpu.memory_space<hbm>>
    tpu.enqueue_indirect_dma source(%dma_start3A_4 : memref<12288x1280xf32, #tpu.memory_space<hbm>>) target(%arg7 : memref<48x1280xf32, #tpu.memory_space<vmem>>) offsets(%arg6 : memref<48xi32, #tpu.memory_space<vmem>>) semaphore(%arg9 : memref<!tpu.dma_semaphore, #tpu.memory_space<semaphore_mem>>)
    %mul3A_5 = arith.constant 4 : i32
    %mul3A_6 = arith.muli %add3A, %mul3A_5 : i32
    "tpu.region"() ({
      %run_scoped3A = tpu.sem_alloc : memref<!tpu.dma_semaphore, #tpu.memory_space<semaphore_mem>>
      %dma_start3A_13 = arith.constant 0 : i32
      %dma_start3A_14 = tpu.memref_slice %arg4[%mul3A_6, %dma_start3A_13] : memref<128x1280xf32, #tpu.memory_space<hbm>> -> memref<4x1280xf32, #tpu.memory_space<hbm>>
      %dma_start3A_15 = arith.constant 0 : i32
      %dma_start3A_16 = tpu.memref_slice %arg4[%mul3A_6, %dma_start3A_15] : memref<128x1280xf32, #tpu.memory_space<hbm>> -> memref<4x1280xf32, #tpu.memory_space<hbm>>
      tpu.enqueue_dma source(%dma_start3A_16 : memref<4x1280xf32, #tpu.memory_space<hbm>>) target(%arg8 : memref<4x1280xf32, #tpu.memory_space<vmem>>) target_semaphore(%run_scoped3A : memref<!tpu.dma_semaphore, #tpu.memory_space<semaphore_mem>>)
      %dma_wait3A_17 = arith.constant 0 : i32
      %dma_wait3A_18 = tpu.memref_slice %arg4[%mul3A_6, %dma_wait3A_17] : memref<128x1280xf32, #tpu.memory_space<hbm>> -> memref<4x1280xf32, #tpu.memory_space<hbm>>
      %dma_wait3A_19 = arith.constant 0 : i32
      %dma_wait3A_20 = tpu.memref_slice %arg4[%mul3A_6, %dma_wait3A_19] : memref<128x1280xf32, #tpu.memory_space<hbm>> -> memref<4x1280xf32, #tpu.memory_space<hbm>>
      tpu.wait_dma2 semaphore(%run_scoped3A : memref<!tpu.dma_semaphore, #tpu.memory_space<semaphore_mem>>) src(%dma_wait3A_20 : memref<4x1280xf32, #tpu.memory_space<hbm>>) dst(%arg8 : memref<4x1280xf32, #tpu.memory_space<vmem>>)
      tpu.yield
    }) : () -> ()
    %mul3A_7 = arith.constant 4 : i32
    %mul3A_8 = arith.muli %add3A, %mul3A_7 : i32
    "tpu.region"() ({
      %run_scoped3A = tpu.sem_alloc : memref<!tpu.dma_semaphore, #tpu.memory_space<semaphore_mem>>
      %dma_start3A_13 = arith.constant 0 : i32
      %dma_start3A_14 = tpu.memref_slice %arg5[%mul3A_8, %dma_start3A_13] : memref<1664x1280xf32, #tpu.memory_space<hbm>> -> memref<4x1280xf32, #tpu.memory_space<hbm>>
      %dma_start3A_15 = arith.constant 0 : i32
      %dma_start3A_16 = tpu.memref_slice %arg5[%mul3A_8, %dma_start3A_15] : memref<1664x1280xf32, #tpu.memory_space<hbm>> -> memref<4x1280xf32, #tpu.memory_space<hbm>>
      tpu.enqueue_dma source(%arg8 : memref<4x1280xf32, #tpu.memory_space<vmem>>) target(%dma_start3A_16 : memref<4x1280xf32, #tpu.memory_space<hbm>>) target_semaphore(%run_scoped3A : memref<!tpu.dma_semaphore, #tpu.memory_space<semaphore_mem>>)
      %dma_wait3A_17 = arith.constant 0 : i32
      %dma_wait3A_18 = tpu.memref_slice %arg5[%mul3A_8, %dma_wait3A_17] : memref<1664x1280xf32, #tpu.memory_space<hbm>> -> memref<4x1280xf32, #tpu.memory_space<hbm>>
      %dma_wait3A_19 = arith.constant 0 : i32
      %dma_wait3A_20 = tpu.memref_slice %arg5[%mul3A_8, %dma_wait3A_19] : memref<1664x1280xf32, #tpu.memory_space<hbm>> -> memref<4x1280xf32, #tpu.memory_space<hbm>>
      tpu.wait_dma2 semaphore(%run_scoped3A : memref<!tpu.dma_semaphore, #tpu.memory_space<semaphore_mem>>) src(%arg8 : memref<4x1280xf32, #tpu.memory_space<vmem>>) dst(%dma_wait3A_20 : memref<4x1280xf32, #tpu.memory_space<hbm>>)
      tpu.yield
    }) : () -> ()
    %dma_wait3A = arith.constant 0 : i32
    %dma_wait3A_9 = arith.constant 0 : i32
    %dma_wait3A_10 = tpu.memref_slice %arg2[%dma_wait3A, %dma_wait3A_9] : memref<12288x1280xf32, #tpu.memory_space<hbm>> -> memref<12288x1280xf32, #tpu.memory_space<hbm>>
    tpu.wait_indirect_dma semaphore(%arg9 : memref<!tpu.dma_semaphore, #tpu.memory_space<semaphore_mem>>) src(%dma_wait3A_10 : memref<12288x1280xf32, #tpu.memory_space<hbm>>) dst(%arg7 : memref<48x1280xf32, #tpu.memory_space<vmem>>)
    %add3A_11 = arith.constant 128 : i32
    %add3A_12 = arith.addi %add3A_11, %mul3A_2 : i32
    "tpu.region"() ({
      %run_scoped3A = tpu.sem_alloc : memref<!tpu.dma_semaphore, #tpu.memory_space<semaphore_mem>>
      %dma_start3A_13 = arith.constant 0 : i32
      %dma_start3A_14 = tpu.memref_slice %arg5[%add3A_12, %dma_start3A_13] : memref<1664x1280xf32, #tpu.memory_space<hbm>> -> memref<48x1280xf32, #tpu.memory_space<hbm>>
      %dma_start3A_15 = arith.constant 0 : i32
      %dma_start3A_16 = tpu.memref_slice %arg5[%add3A_12, %dma_start3A_15] : memref<1664x1280xf32, #tpu.memory_space<hbm>> -> memref<48x1280xf32, #tpu.memory_space<hbm>>
      tpu.enqueue_dma source(%arg7 : memref<48x1280xf32, #tpu.memory_space<vmem>>) target(%dma_start3A_16 : memref<48x1280xf32, #tpu.memory_space<hbm>>) target_semaphore(%run_scoped3A : memref<!tpu.dma_semaphore, #tpu.memory_space<semaphore_mem>>)
      %dma_wait3A_17 = arith.constant 0 : i32
      %dma_wait3A_18 = tpu.memref_slice %arg5[%add3A_12, %dma_wait3A_17] : memref<1664x1280xf32, #tpu.memory_space<hbm>> -> memref<48x1280xf32, #tpu.memory_space<hbm>>
      %dma_wait3A_19 = arith.constant 0 : i32
      %dma_wait3A_20 = tpu.memref_slice %arg5[%add3A_12, %dma_wait3A_19] : memref<1664x1280xf32, #tpu.memory_space<hbm>> -> memref<48x1280xf32, #tpu.memory_space<hbm>>
      tpu.wait_dma2 semaphore(%run_scoped3A : memref<!tpu.dma_semaphore, #tpu.memory_space<semaphore_mem>>) src(%arg7 : memref<48x1280xf32, #tpu.memory_space<vmem>>) dst(%dma_wait3A_20 : memref<48x1280xf32, #tpu.memory_space<hbm>>)
      tpu.yield
    }) : () -> ()
    return
  }
}

module attributes {stable_mosaic.version = 14 : i64} {
  func.func @_tc_body(%arg0: i32, %arg1: memref<32x16xf32, #tpu.memory_space<vmem>>, %arg2: memref<32x11x128xf32, #tpu.memory_space<vmem>>, %arg3: memref<32x16x1280xf32, #tpu.memory_space<vmem>>, %arg4: memref<128x128xf32, #tpu.memory_space<vmem>>, %arg5: memref<128x16xf32, #tpu.memory_space<vmem>>, %arg6: memref<32x1280xf32, #tpu.memory_space<vmem>>, %arg7: memref<32x12xi32, #tpu.memory_space<vmem>>) attributes {dimension_semantics = [#tpu.dimension_semantics<arbitrary>], iteration_bounds = array<i64: 4>, scalar_prefetch = 0 : i64, scratch_operands = 0 : i64, tpu.core_type = #tpu.core_type<tc>, window_params = [{transform_indices = @transform_0, window_bounds = array<i64: 32, 16>}, {transform_indices = @transform_1, window_bounds = array<i64: 32, 11, 128>}, {transform_indices = @transform_2, window_bounds = array<i64: 32, 16, 1280>}, {pipeline_mode = #tpu.pipeline_mode<synchronous>, transform_indices = @transform_3, window_bounds = array<i64: 128, 128>}, {pipeline_mode = #tpu.pipeline_mode<synchronous>, transform_indices = @transform_4, window_bounds = array<i64: 128, 16>}, {transform_indices = @transform_5, window_bounds = array<i64: 32, 1280>}, {transform_indices = @transform_6, window_bounds = array<i64: 32, 12>}]} {
    %get3A = arith.constant 0 : index
    %get3A_0 = arith.constant 0 : index
    %get3A_1 = vector.load %arg1[%get3A, %get3A_0] : memref<32x16xf32, #tpu.memory_space<vmem>>, vector<32x16xf32>
    %slice3A = vector.extract_strided_slice %get3A_1 {offsets = [0, 0], sizes = [32, 1], strides = [1, 1]} : vector<32x16xf32> to vector<32x1xf32>
    %slice3A_2 = vector.extract_strided_slice %get3A_1 {offsets = [0, 1], sizes = [32, 1], strides = [1, 1]} : vector<32x16xf32> to vector<32x1xf32>
    %add3A = arith.addf %slice3A, %slice3A_2 : vector<32x1xf32>
    %slice3A_3 = vector.extract_strided_slice %get3A_1 {offsets = [0, 2], sizes = [32, 1], strides = [1, 1]} : vector<32x16xf32> to vector<32x1xf32>
    %add3A_4 = arith.addf %add3A, %slice3A_3 : vector<32x1xf32>
    %slice3A_5 = vector.extract_strided_slice %get3A_1 {offsets = [0, 3], sizes = [32, 1], strides = [1, 1]} : vector<32x16xf32> to vector<32x1xf32>
    %add3A_6 = arith.addf %add3A_4, %slice3A_5 : vector<32x1xf32>
    %slice3A_7 = vector.extract_strided_slice %get3A_1 {offsets = [0, 4], sizes = [32, 1], strides = [1, 1]} : vector<32x16xf32> to vector<32x1xf32>
    %add3A_8 = arith.addf %add3A_6, %slice3A_7 : vector<32x1xf32>
    %slice3A_9 = vector.extract_strided_slice %get3A_1 {offsets = [0, 5], sizes = [32, 1], strides = [1, 1]} : vector<32x16xf32> to vector<32x1xf32>
    %add3A_10 = arith.addf %add3A_8, %slice3A_9 : vector<32x1xf32>
    %slice3A_11 = vector.extract_strided_slice %get3A_1 {offsets = [0, 6], sizes = [32, 1], strides = [1, 1]} : vector<32x16xf32> to vector<32x1xf32>
    %add3A_12 = arith.addf %add3A_10, %slice3A_11 : vector<32x1xf32>
    %slice3A_13 = vector.extract_strided_slice %get3A_1 {offsets = [0, 7], sizes = [32, 1], strides = [1, 1]} : vector<32x16xf32> to vector<32x1xf32>
    %add3A_14 = arith.addf %add3A_12, %slice3A_13 : vector<32x1xf32>
    %slice3A_15 = vector.extract_strided_slice %get3A_1 {offsets = [0, 8], sizes = [32, 1], strides = [1, 1]} : vector<32x16xf32> to vector<32x1xf32>
    %add3A_16 = arith.addf %add3A_14, %slice3A_15 : vector<32x1xf32>
    %slice3A_17 = vector.extract_strided_slice %get3A_1 {offsets = [0, 9], sizes = [32, 1], strides = [1, 1]} : vector<32x16xf32> to vector<32x1xf32>
    %add3A_18 = arith.addf %add3A_16, %slice3A_17 : vector<32x1xf32>
    %slice3A_19 = vector.extract_strided_slice %get3A_1 {offsets = [0, 10], sizes = [32, 1], strides = [1, 1]} : vector<32x16xf32> to vector<32x1xf32>
    %add3A_20 = arith.addf %add3A_18, %slice3A_19 : vector<32x1xf32>
    %slice3A_21 = vector.extract_strided_slice %get3A_1 {offsets = [0, 11], sizes = [32, 1], strides = [1, 1]} : vector<32x16xf32> to vector<32x1xf32>
    %add3A_22 = arith.addf %add3A_20, %slice3A_21 : vector<32x1xf32>
    %slice3A_23 = vector.extract_strided_slice %get3A_1 {offsets = [0, 12], sizes = [32, 1], strides = [1, 1]} : vector<32x16xf32> to vector<32x1xf32>
    %add3A_24 = arith.addf %add3A_22, %slice3A_23 : vector<32x1xf32>
    %slice3A_25 = vector.extract_strided_slice %get3A_1 {offsets = [0, 13], sizes = [32, 1], strides = [1, 1]} : vector<32x16xf32> to vector<32x1xf32>
    %add3A_26 = arith.addf %add3A_24, %slice3A_25 : vector<32x1xf32>
    %slice3A_27 = vector.extract_strided_slice %get3A_1 {offsets = [0, 14], sizes = [32, 1], strides = [1, 1]} : vector<32x16xf32> to vector<32x1xf32>
    %add3A_28 = arith.addf %add3A_26, %slice3A_27 : vector<32x1xf32>
    %slice3A_29 = vector.extract_strided_slice %get3A_1 {offsets = [0, 15], sizes = [32, 1], strides = [1, 1]} : vector<32x16xf32> to vector<32x1xf32>
    %add3A_30 = arith.addf %add3A_28, %slice3A_29 : vector<32x1xf32>
    %concatenate3A = tpu.concatenate %slice3A, %add3A, %add3A_4, %add3A_6, %add3A_8, %add3A_10, %add3A_12, %add3A_14, %add3A_16, %add3A_18, %add3A_20, %add3A_22, %add3A_24, %add3A_26, %add3A_28, %add3A_30 in 1 : vector<32x1xf32>, vector<32x1xf32>, vector<32x1xf32>, vector<32x1xf32>, vector<32x1xf32>, vector<32x1xf32>, vector<32x1xf32>, vector<32x1xf32>, vector<32x1xf32>, vector<32x1xf32>, vector<32x1xf32>, vector<32x1xf32>, vector<32x1xf32>, vector<32x1xf32>, vector<32x1xf32>, vector<32x1xf32> -> vector<32x16xf32>
    %get3A_31 = arith.constant 0 : index
    %get3A_32 = arith.constant 0 : index
    %get3A_33 = arith.constant 0 : index
    %get3A_34 = vector.load %arg2[%get3A_31, %get3A_32, %get3A_33] : memref<32x11x128xf32, #tpu.memory_space<vmem>>, vector<32x11x128xf32>
    %add3A_35 = arith.constant 1.000000e-10 : f32
    %add3A_36 = vector.broadcast %add3A_35 : f32 to vector<32x16xf32>
    %add3A_37 = arith.addf %get3A_1, %add3A_36 : vector<32x16xf32>
    %log3A = math.log %add3A_37 : vector<32x16xf32>
    %concatenate3A_38 = tpu.concatenate %log3A, %log3A, %log3A, %log3A, %log3A, %log3A, %log3A, %log3A in 1 : vector<32x16xf32>, vector<32x16xf32>, vector<32x16xf32>, vector<32x16xf32>, vector<32x16xf32>, vector<32x16xf32>, vector<32x16xf32>, vector<32x16xf32> -> vector<32x128xf32>
    %concatenate3A_39 = tpu.concatenate %get3A_1, %get3A_1, %get3A_1, %get3A_1, %get3A_1, %get3A_1, %get3A_1, %get3A_1 in 1 : vector<32x16xf32>, vector<32x16xf32>, vector<32x16xf32>, vector<32x16xf32>, vector<32x16xf32>, vector<32x16xf32>, vector<32x16xf32>, vector<32x16xf32> -> vector<32x128xf32>
    %broadcast_in_dim3A = vector.shape_cast %concatenate3A_38 : vector<32x128xf32> to vector<32x1x128xf32>
    %add3A_40 = vector.broadcast %broadcast_in_dim3A : vector<32x1x128xf32> to vector<32x11x128xf32>
    %add3A_41 = arith.addf %add3A_40, %get3A_34 : vector<32x11x128xf32>
    %iota3A = tpu.iota {dimensions = array<i32: 2>} : vector<1x1x128xi32>
    %broadcast_in_dim3A_42 = arith.constant 0.000000e+00 : f32
    %broadcast_in_dim3A_43 = vector.broadcast %broadcast_in_dim3A_42 : f32 to vector<32x11x128xf32>
    %roll3A = arith.constant 127 : i32
    %roll3A_44 = tpu.dynamic_rotate %add3A_41 by %roll3A dim 2 : vector<32x11x128xf32>, i32 -> vector<32x11x128xf32>
    %roll3A_45 = arith.constant 15 : i32
    %roll3A_46 = tpu.dynamic_rotate %add3A_41 by %roll3A_45 dim 2 : vector<32x11x128xf32>, i32 -> vector<32x11x128xf32>
    %jit3A = arith.constant 16 : i32
    %eq3A = arith.constant 0 : i32
    %eq3A_47 = arith.cmpi eq, %jit3A, %eq3A : i32
    %jit3A_48 = arith.constant 1 : i32
    %select_n3A = arith.select %eq3A_47, %jit3A_48, %jit3A : i32
    %rem3A = vector.broadcast %select_n3A : i32 to vector<1x1x128xi32>
    %rem3A_49 = arith.remsi %iota3A, %rem3A : vector<1x1x128xi32>
    %ne3A = arith.constant 0 : i32
    %ne3A_50 = vector.broadcast %ne3A : i32 to vector<1x1x128xi32>
    %ne3A_51 = arith.cmpi ne, %rem3A_49, %ne3A_50 : vector<1x1x128xi32>
    %lt3A = arith.constant 0 : i32
    %lt3A_52 = vector.broadcast %lt3A : i32 to vector<1x1x128xi32>
    %lt3A_53 = arith.cmpi slt, %rem3A_49, %lt3A_52 : vector<1x1x128xi32>
    %lt3A_54 = arith.constant 0 : i32
    %lt3A_55 = arith.cmpi slt, %select_n3A, %lt3A_54 : i32
    %ne3A_56 = vector.broadcast %lt3A_55 : i1 to vector<1x1x128xi1>
    %ne3A_57 = vector.broadcast %ne3A_56 : vector<1x1x128xi1> to vector<1x1x128xi1>
    %ne3A_58 = arith.xori %lt3A_53, %ne3A_57 : vector<1x1x128xi1>
    %and3A = arith.andi %ne3A_58, %ne3A_51 : vector<1x1x128xi1>
    %add3A_59 = vector.broadcast %select_n3A : i32 to vector<1x1x128xi32>
    %add3A_60 = arith.addi %rem3A_49, %add3A_59 : vector<1x1x128xi32>
    %select_n3A_61 = arith.select %and3A, %add3A_60, %rem3A_49 : vector<1x1x128xi1>, vector<1x1x128xi32>
    %lt3A_62 = arith.constant 15 : i32
    %lt3A_63 = vector.broadcast %lt3A_62 : i32 to vector<1x1x128xi32>
    %lt3A_64 = arith.cmpi slt, %select_n3A_61, %lt3A_63 : vector<1x1x128xi32>
    %broadcast_in_dim3A_65 = vector.shape_cast %lt3A_64 : vector<1x1x128xi1> to vector<1x1x128xi1>
    %broadcast_in_dim3A_66 = vector.broadcast %broadcast_in_dim3A_65 : vector<1x1x128xi1> to vector<32x11x128xi1>
    %select_n3A_67 = arith.select %broadcast_in_dim3A_66, %roll3A_44, %roll3A_46 : vector<32x11x128xi1>, vector<32x11x128xf32>
    %gt3A = arith.cmpf ogt, %select_n3A_67, %add3A_41 : vector<32x11x128xf32>
    %convert_element_type3A = arith.extui %gt3A : vector<32x11x128xi1> to vector<32x11x128xi32>
    %convert_element_type3A_68 = arith.sitofp %convert_element_type3A : vector<32x11x128xi32> to vector<32x11x128xf32>
    %add3A_69 = arith.addf %broadcast_in_dim3A_43, %convert_element_type3A_68 : vector<32x11x128xf32>
    %roll3A_70 = arith.constant 126 : i32
    %roll3A_71 = tpu.dynamic_rotate %add3A_41 by %roll3A_70 dim 2 : vector<32x11x128xf32>, i32 -> vector<32x11x128xf32>
    %roll3A_72 = arith.constant 14 : i32
    %roll3A_73 = tpu.dynamic_rotate %add3A_41 by %roll3A_72 dim 2 : vector<32x11x128xf32>, i32 -> vector<32x11x128xf32>
    %jit3A_74 = arith.constant 16 : i32
    %eq3A_75 = arith.constant 0 : i32
    %eq3A_76 = arith.cmpi eq, %jit3A_74, %eq3A_75 : i32
    %jit3A_77 = arith.constant 1 : i32
    %select_n3A_78 = arith.select %eq3A_76, %jit3A_77, %jit3A_74 : i32
    %rem3A_79 = vector.broadcast %select_n3A_78 : i32 to vector<1x1x128xi32>
    %rem3A_80 = arith.remsi %iota3A, %rem3A_79 : vector<1x1x128xi32>
    %ne3A_81 = arith.constant 0 : i32
    %ne3A_82 = vector.broadcast %ne3A_81 : i32 to vector<1x1x128xi32>
    %ne3A_83 = arith.cmpi ne, %rem3A_80, %ne3A_82 : vector<1x1x128xi32>
    %lt3A_84 = arith.constant 0 : i32
    %lt3A_85 = vector.broadcast %lt3A_84 : i32 to vector<1x1x128xi32>
    %lt3A_86 = arith.cmpi slt, %rem3A_80, %lt3A_85 : vector<1x1x128xi32>
    %lt3A_87 = arith.constant 0 : i32
    %lt3A_88 = arith.cmpi slt, %select_n3A_78, %lt3A_87 : i32
    %ne3A_89 = vector.broadcast %lt3A_88 : i1 to vector<1x1x128xi1>
    %ne3A_90 = vector.broadcast %ne3A_89 : vector<1x1x128xi1> to vector<1x1x128xi1>
    %ne3A_91 = arith.xori %lt3A_86, %ne3A_90 : vector<1x1x128xi1>
    %and3A_92 = arith.andi %ne3A_91, %ne3A_83 : vector<1x1x128xi1>
    %add3A_93 = vector.broadcast %select_n3A_78 : i32 to vector<1x1x128xi32>
    %add3A_94 = arith.addi %rem3A_80, %add3A_93 : vector<1x1x128xi32>
    %select_n3A_95 = arith.select %and3A_92, %add3A_94, %rem3A_80 : vector<1x1x128xi1>, vector<1x1x128xi32>
    %lt3A_96 = arith.constant 14 : i32
    %lt3A_97 = vector.broadcast %lt3A_96 : i32 to vector<1x1x128xi32>
    %lt3A_98 = arith.cmpi slt, %select_n3A_95, %lt3A_97 : vector<1x1x128xi32>
    %broadcast_in_dim3A_99 = vector.shape_cast %lt3A_98 : vector<1x1x128xi1> to vector<1x1x128xi1>
    %broadcast_in_dim3A_100 = vector.broadcast %broadcast_in_dim3A_99 : vector<1x1x128xi1> to vector<32x11x128xi1>
    %select_n3A_101 = arith.select %broadcast_in_dim3A_100, %roll3A_71, %roll3A_73 : vector<32x11x128xi1>, vector<32x11x128xf32>
    %gt3A_102 = arith.cmpf ogt, %select_n3A_101, %add3A_41 : vector<32x11x128xf32>
    %convert_element_type3A_103 = arith.extui %gt3A_102 : vector<32x11x128xi1> to vector<32x11x128xi32>
    %convert_element_type3A_104 = arith.sitofp %convert_element_type3A_103 : vector<32x11x128xi32> to vector<32x11x128xf32>
    %add3A_105 = arith.addf %add3A_69, %convert_element_type3A_104 : vector<32x11x128xf32>
    %roll3A_106 = arith.constant 125 : i32
    %roll3A_107 = tpu.dynamic_rotate %add3A_41 by %roll3A_106 dim 2 : vector<32x11x128xf32>, i32 -> vector<32x11x128xf32>
    %roll3A_108 = arith.constant 13 : i32
    %roll3A_109 = tpu.dynamic_rotate %add3A_41 by %roll3A_108 dim 2 : vector<32x11x128xf32>, i32 -> vector<32x11x128xf32>
    %jit3A_110 = arith.constant 16 : i32
    %eq3A_111 = arith.constant 0 : i32
    %eq3A_112 = arith.cmpi eq, %jit3A_110, %eq3A_111 : i32
    %jit3A_113 = arith.constant 1 : i32
    %select_n3A_114 = arith.select %eq3A_112, %jit3A_113, %jit3A_110 : i32
    %rem3A_115 = vector.broadcast %select_n3A_114 : i32 to vector<1x1x128xi32>
    %rem3A_116 = arith.remsi %iota3A, %rem3A_115 : vector<1x1x128xi32>
    %ne3A_117 = arith.constant 0 : i32
    %ne3A_118 = vector.broadcast %ne3A_117 : i32 to vector<1x1x128xi32>
    %ne3A_119 = arith.cmpi ne, %rem3A_116, %ne3A_118 : vector<1x1x128xi32>
    %lt3A_120 = arith.constant 0 : i32
    %lt3A_121 = vector.broadcast %lt3A_120 : i32 to vector<1x1x128xi32>
    %lt3A_122 = arith.cmpi slt, %rem3A_116, %lt3A_121 : vector<1x1x128xi32>
    %lt3A_123 = arith.constant 0 : i32
    %lt3A_124 = arith.cmpi slt, %select_n3A_114, %lt3A_123 : i32
    %ne3A_125 = vector.broadcast %lt3A_124 : i1 to vector<1x1x128xi1>
    %ne3A_126 = vector.broadcast %ne3A_125 : vector<1x1x128xi1> to vector<1x1x128xi1>
    %ne3A_127 = arith.xori %lt3A_122, %ne3A_126 : vector<1x1x128xi1>
    %and3A_128 = arith.andi %ne3A_127, %ne3A_119 : vector<1x1x128xi1>
    %add3A_129 = vector.broadcast %select_n3A_114 : i32 to vector<1x1x128xi32>
    %add3A_130 = arith.addi %rem3A_116, %add3A_129 : vector<1x1x128xi32>
    %select_n3A_131 = arith.select %and3A_128, %add3A_130, %rem3A_116 : vector<1x1x128xi1>, vector<1x1x128xi32>
    %lt3A_132 = arith.constant 13 : i32
    %lt3A_133 = vector.broadcast %lt3A_132 : i32 to vector<1x1x128xi32>
    %lt3A_134 = arith.cmpi slt, %select_n3A_131, %lt3A_133 : vector<1x1x128xi32>
    %broadcast_in_dim3A_135 = vector.shape_cast %lt3A_134 : vector<1x1x128xi1> to vector<1x1x128xi1>
    %broadcast_in_dim3A_136 = vector.broadcast %broadcast_in_dim3A_135 : vector<1x1x128xi1> to vector<32x11x128xi1>
    %select_n3A_137 = arith.select %broadcast_in_dim3A_136, %roll3A_107, %roll3A_109 : vector<32x11x128xi1>, vector<32x11x128xf32>
    %gt3A_138 = arith.cmpf ogt, %select_n3A_137, %add3A_41 : vector<32x11x128xf32>
    %convert_element_type3A_139 = arith.extui %gt3A_138 : vector<32x11x128xi1> to vector<32x11x128xi32>
    %convert_element_type3A_140 = arith.sitofp %convert_element_type3A_139 : vector<32x11x128xi32> to vector<32x11x128xf32>
    %add3A_141 = arith.addf %add3A_105, %convert_element_type3A_140 : vector<32x11x128xf32>
    %roll3A_142 = arith.constant 124 : i32
    %roll3A_143 = tpu.dynamic_rotate %add3A_41 by %roll3A_142 dim 2 : vector<32x11x128xf32>, i32 -> vector<32x11x128xf32>
    %roll3A_144 = arith.constant 12 : i32
    %roll3A_145 = tpu.dynamic_rotate %add3A_41 by %roll3A_144 dim 2 : vector<32x11x128xf32>, i32 -> vector<32x11x128xf32>
    %jit3A_146 = arith.constant 16 : i32
    %eq3A_147 = arith.constant 0 : i32
    %eq3A_148 = arith.cmpi eq, %jit3A_146, %eq3A_147 : i32
    %jit3A_149 = arith.constant 1 : i32
    %select_n3A_150 = arith.select %eq3A_148, %jit3A_149, %jit3A_146 : i32
    %rem3A_151 = vector.broadcast %select_n3A_150 : i32 to vector<1x1x128xi32>
    %rem3A_152 = arith.remsi %iota3A, %rem3A_151 : vector<1x1x128xi32>
    %ne3A_153 = arith.constant 0 : i32
    %ne3A_154 = vector.broadcast %ne3A_153 : i32 to vector<1x1x128xi32>
    %ne3A_155 = arith.cmpi ne, %rem3A_152, %ne3A_154 : vector<1x1x128xi32>
    %lt3A_156 = arith.constant 0 : i32
    %lt3A_157 = vector.broadcast %lt3A_156 : i32 to vector<1x1x128xi32>
    %lt3A_158 = arith.cmpi slt, %rem3A_152, %lt3A_157 : vector<1x1x128xi32>
    %lt3A_159 = arith.constant 0 : i32
    %lt3A_160 = arith.cmpi slt, %select_n3A_150, %lt3A_159 : i32
    %ne3A_161 = vector.broadcast %lt3A_160 : i1 to vector<1x1x128xi1>
    %ne3A_162 = vector.broadcast %ne3A_161 : vector<1x1x128xi1> to vector<1x1x128xi1>
    %ne3A_163 = arith.xori %lt3A_158, %ne3A_162 : vector<1x1x128xi1>
    %and3A_164 = arith.andi %ne3A_163, %ne3A_155 : vector<1x1x128xi1>
    %add3A_165 = vector.broadcast %select_n3A_150 : i32 to vector<1x1x128xi32>
    %add3A_166 = arith.addi %rem3A_152, %add3A_165 : vector<1x1x128xi32>
    %select_n3A_167 = arith.select %and3A_164, %add3A_166, %rem3A_152 : vector<1x1x128xi1>, vector<1x1x128xi32>
    %lt3A_168 = arith.constant 12 : i32
    %lt3A_169 = vector.broadcast %lt3A_168 : i32 to vector<1x1x128xi32>
    %lt3A_170 = arith.cmpi slt, %select_n3A_167, %lt3A_169 : vector<1x1x128xi32>
    %broadcast_in_dim3A_171 = vector.shape_cast %lt3A_170 : vector<1x1x128xi1> to vector<1x1x128xi1>
    %broadcast_in_dim3A_172 = vector.broadcast %broadcast_in_dim3A_171 : vector<1x1x128xi1> to vector<32x11x128xi1>
    %select_n3A_173 = arith.select %broadcast_in_dim3A_172, %roll3A_143, %roll3A_145 : vector<32x11x128xi1>, vector<32x11x128xf32>
    %gt3A_174 = arith.cmpf ogt, %select_n3A_173, %add3A_41 : vector<32x11x128xf32>
    %convert_element_type3A_175 = arith.extui %gt3A_174 : vector<32x11x128xi1> to vector<32x11x128xi32>
    %convert_element_type3A_176 = arith.sitofp %convert_element_type3A_175 : vector<32x11x128xi32> to vector<32x11x128xf32>
    %add3A_177 = arith.addf %add3A_141, %convert_element_type3A_176 : vector<32x11x128xf32>
    %roll3A_178 = arith.constant 123 : i32
    %roll3A_179 = tpu.dynamic_rotate %add3A_41 by %roll3A_178 dim 2 : vector<32x11x128xf32>, i32 -> vector<32x11x128xf32>
    %roll3A_180 = arith.constant 11 : i32
    %roll3A_181 = tpu.dynamic_rotate %add3A_41 by %roll3A_180 dim 2 : vector<32x11x128xf32>, i32 -> vector<32x11x128xf32>
    %jit3A_182 = arith.constant 16 : i32
    %eq3A_183 = arith.constant 0 : i32
    %eq3A_184 = arith.cmpi eq, %jit3A_182, %eq3A_183 : i32
    %jit3A_185 = arith.constant 1 : i32
    %select_n3A_186 = arith.select %eq3A_184, %jit3A_185, %jit3A_182 : i32
    %rem3A_187 = vector.broadcast %select_n3A_186 : i32 to vector<1x1x128xi32>
    %rem3A_188 = arith.remsi %iota3A, %rem3A_187 : vector<1x1x128xi32>
    %ne3A_189 = arith.constant 0 : i32
    %ne3A_190 = vector.broadcast %ne3A_189 : i32 to vector<1x1x128xi32>
    %ne3A_191 = arith.cmpi ne, %rem3A_188, %ne3A_190 : vector<1x1x128xi32>
    %lt3A_192 = arith.constant 0 : i32
    %lt3A_193 = vector.broadcast %lt3A_192 : i32 to vector<1x1x128xi32>
    %lt3A_194 = arith.cmpi slt, %rem3A_188, %lt3A_193 : vector<1x1x128xi32>
    %lt3A_195 = arith.constant 0 : i32
    %lt3A_196 = arith.cmpi slt, %select_n3A_186, %lt3A_195 : i32
    %ne3A_197 = vector.broadcast %lt3A_196 : i1 to vector<1x1x128xi1>
    %ne3A_198 = vector.broadcast %ne3A_197 : vector<1x1x128xi1> to vector<1x1x128xi1>
    %ne3A_199 = arith.xori %lt3A_194, %ne3A_198 : vector<1x1x128xi1>
    %and3A_200 = arith.andi %ne3A_199, %ne3A_191 : vector<1x1x128xi1>
    %add3A_201 = vector.broadcast %select_n3A_186 : i32 to vector<1x1x128xi32>
    %add3A_202 = arith.addi %rem3A_188, %add3A_201 : vector<1x1x128xi32>
    %select_n3A_203 = arith.select %and3A_200, %add3A_202, %rem3A_188 : vector<1x1x128xi1>, vector<1x1x128xi32>
    %lt3A_204 = arith.constant 11 : i32
    %lt3A_205 = vector.broadcast %lt3A_204 : i32 to vector<1x1x128xi32>
    %lt3A_206 = arith.cmpi slt, %select_n3A_203, %lt3A_205 : vector<1x1x128xi32>
    %broadcast_in_dim3A_207 = vector.shape_cast %lt3A_206 : vector<1x1x128xi1> to vector<1x1x128xi1>
    %broadcast_in_dim3A_208 = vector.broadcast %broadcast_in_dim3A_207 : vector<1x1x128xi1> to vector<32x11x128xi1>
    %select_n3A_209 = arith.select %broadcast_in_dim3A_208, %roll3A_179, %roll3A_181 : vector<32x11x128xi1>, vector<32x11x128xf32>
    %gt3A_210 = arith.cmpf ogt, %select_n3A_209, %add3A_41 : vector<32x11x128xf32>
    %convert_element_type3A_211 = arith.extui %gt3A_210 : vector<32x11x128xi1> to vector<32x11x128xi32>
    %convert_element_type3A_212 = arith.sitofp %convert_element_type3A_211 : vector<32x11x128xi32> to vector<32x11x128xf32>
    %add3A_213 = arith.addf %add3A_177, %convert_element_type3A_212 : vector<32x11x128xf32>
    %roll3A_214 = arith.constant 122 : i32
    %roll3A_215 = tpu.dynamic_rotate %add3A_41 by %roll3A_214 dim 2 : vector<32x11x128xf32>, i32 -> vector<32x11x128xf32>
    %roll3A_216 = arith.constant 10 : i32
    %roll3A_217 = tpu.dynamic_rotate %add3A_41 by %roll3A_216 dim 2 : vector<32x11x128xf32>, i32 -> vector<32x11x128xf32>
    %jit3A_218 = arith.constant 16 : i32
    %eq3A_219 = arith.constant 0 : i32
    %eq3A_220 = arith.cmpi eq, %jit3A_218, %eq3A_219 : i32
    %jit3A_221 = arith.constant 1 : i32
    %select_n3A_222 = arith.select %eq3A_220, %jit3A_221, %jit3A_218 : i32
    %rem3A_223 = vector.broadcast %select_n3A_222 : i32 to vector<1x1x128xi32>
    %rem3A_224 = arith.remsi %iota3A, %rem3A_223 : vector<1x1x128xi32>
    %ne3A_225 = arith.constant 0 : i32
    %ne3A_226 = vector.broadcast %ne3A_225 : i32 to vector<1x1x128xi32>
    %ne3A_227 = arith.cmpi ne, %rem3A_224, %ne3A_226 : vector<1x1x128xi32>
    %lt3A_228 = arith.constant 0 : i32
    %lt3A_229 = vector.broadcast %lt3A_228 : i32 to vector<1x1x128xi32>
    %lt3A_230 = arith.cmpi slt, %rem3A_224, %lt3A_229 : vector<1x1x128xi32>
    %lt3A_231 = arith.constant 0 : i32
    %lt3A_232 = arith.cmpi slt, %select_n3A_222, %lt3A_231 : i32
    %ne3A_233 = vector.broadcast %lt3A_232 : i1 to vector<1x1x128xi1>
    %ne3A_234 = vector.broadcast %ne3A_233 : vector<1x1x128xi1> to vector<1x1x128xi1>
    %ne3A_235 = arith.xori %lt3A_230, %ne3A_234 : vector<1x1x128xi1>
    %and3A_236 = arith.andi %ne3A_235, %ne3A_227 : vector<1x1x128xi1>
    %add3A_237 = vector.broadcast %select_n3A_222 : i32 to vector<1x1x128xi32>
    %add3A_238 = arith.addi %rem3A_224, %add3A_237 : vector<1x1x128xi32>
    %select_n3A_239 = arith.select %and3A_236, %add3A_238, %rem3A_224 : vector<1x1x128xi1>, vector<1x1x128xi32>
    %lt3A_240 = arith.constant 10 : i32
    %lt3A_241 = vector.broadcast %lt3A_240 : i32 to vector<1x1x128xi32>
    %lt3A_242 = arith.cmpi slt, %select_n3A_239, %lt3A_241 : vector<1x1x128xi32>
    %broadcast_in_dim3A_243 = vector.shape_cast %lt3A_242 : vector<1x1x128xi1> to vector<1x1x128xi1>
    %broadcast_in_dim3A_244 = vector.broadcast %broadcast_in_dim3A_243 : vector<1x1x128xi1> to vector<32x11x128xi1>
    %select_n3A_245 = arith.select %broadcast_in_dim3A_244, %roll3A_215, %roll3A_217 : vector<32x11x128xi1>, vector<32x11x128xf32>
    %gt3A_246 = arith.cmpf ogt, %select_n3A_245, %add3A_41 : vector<32x11x128xf32>
    %convert_element_type3A_247 = arith.extui %gt3A_246 : vector<32x11x128xi1> to vector<32x11x128xi32>
    %convert_element_type3A_248 = arith.sitofp %convert_element_type3A_247 : vector<32x11x128xi32> to vector<32x11x128xf32>
    %add3A_249 = arith.addf %add3A_213, %convert_element_type3A_248 : vector<32x11x128xf32>
    %roll3A_250 = arith.constant 121 : i32
    %roll3A_251 = tpu.dynamic_rotate %add3A_41 by %roll3A_250 dim 2 : vector<32x11x128xf32>, i32 -> vector<32x11x128xf32>
    %roll3A_252 = arith.constant 9 : i32
    %roll3A_253 = tpu.dynamic_rotate %add3A_41 by %roll3A_252 dim 2 : vector<32x11x128xf32>, i32 -> vector<32x11x128xf32>
    %jit3A_254 = arith.constant 16 : i32
    %eq3A_255 = arith.constant 0 : i32
    %eq3A_256 = arith.cmpi eq, %jit3A_254, %eq3A_255 : i32
    %jit3A_257 = arith.constant 1 : i32
    %select_n3A_258 = arith.select %eq3A_256, %jit3A_257, %jit3A_254 : i32
    %rem3A_259 = vector.broadcast %select_n3A_258 : i32 to vector<1x1x128xi32>
    %rem3A_260 = arith.remsi %iota3A, %rem3A_259 : vector<1x1x128xi32>
    %ne3A_261 = arith.constant 0 : i32
    %ne3A_262 = vector.broadcast %ne3A_261 : i32 to vector<1x1x128xi32>
    %ne3A_263 = arith.cmpi ne, %rem3A_260, %ne3A_262 : vector<1x1x128xi32>
    %lt3A_264 = arith.constant 0 : i32
    %lt3A_265 = vector.broadcast %lt3A_264 : i32 to vector<1x1x128xi32>
    %lt3A_266 = arith.cmpi slt, %rem3A_260, %lt3A_265 : vector<1x1x128xi32>
    %lt3A_267 = arith.constant 0 : i32
    %lt3A_268 = arith.cmpi slt, %select_n3A_258, %lt3A_267 : i32
    %ne3A_269 = vector.broadcast %lt3A_268 : i1 to vector<1x1x128xi1>
    %ne3A_270 = vector.broadcast %ne3A_269 : vector<1x1x128xi1> to vector<1x1x128xi1>
    %ne3A_271 = arith.xori %lt3A_266, %ne3A_270 : vector<1x1x128xi1>
    %and3A_272 = arith.andi %ne3A_271, %ne3A_263 : vector<1x1x128xi1>
    %add3A_273 = vector.broadcast %select_n3A_258 : i32 to vector<1x1x128xi32>
    %add3A_274 = arith.addi %rem3A_260, %add3A_273 : vector<1x1x128xi32>
    %select_n3A_275 = arith.select %and3A_272, %add3A_274, %rem3A_260 : vector<1x1x128xi1>, vector<1x1x128xi32>
    %lt3A_276 = arith.constant 9 : i32
    %lt3A_277 = vector.broadcast %lt3A_276 : i32 to vector<1x1x128xi32>
    %lt3A_278 = arith.cmpi slt, %select_n3A_275, %lt3A_277 : vector<1x1x128xi32>
    %broadcast_in_dim3A_279 = vector.shape_cast %lt3A_278 : vector<1x1x128xi1> to vector<1x1x128xi1>
    %broadcast_in_dim3A_280 = vector.broadcast %broadcast_in_dim3A_279 : vector<1x1x128xi1> to vector<32x11x128xi1>
    %select_n3A_281 = arith.select %broadcast_in_dim3A_280, %roll3A_251, %roll3A_253 : vector<32x11x128xi1>, vector<32x11x128xf32>
    %gt3A_282 = arith.cmpf ogt, %select_n3A_281, %add3A_41 : vector<32x11x128xf32>
    %convert_element_type3A_283 = arith.extui %gt3A_282 : vector<32x11x128xi1> to vector<32x11x128xi32>
    %convert_element_type3A_284 = arith.sitofp %convert_element_type3A_283 : vector<32x11x128xi32> to vector<32x11x128xf32>
    %add3A_285 = arith.addf %add3A_249, %convert_element_type3A_284 : vector<32x11x128xf32>
    %roll3A_286 = arith.constant 120 : i32
    %roll3A_287 = tpu.dynamic_rotate %add3A_41 by %roll3A_286 dim 2 : vector<32x11x128xf32>, i32 -> vector<32x11x128xf32>
    %roll3A_288 = arith.constant 8 : i32
    %roll3A_289 = tpu.dynamic_rotate %add3A_41 by %roll3A_288 dim 2 : vector<32x11x128xf32>, i32 -> vector<32x11x128xf32>
    %jit3A_290 = arith.constant 16 : i32
    %eq3A_291 = arith.constant 0 : i32
    %eq3A_292 = arith.cmpi eq, %jit3A_290, %eq3A_291 : i32
    %jit3A_293 = arith.constant 1 : i32
    %select_n3A_294 = arith.select %eq3A_292, %jit3A_293, %jit3A_290 : i32
    %rem3A_295 = vector.broadcast %select_n3A_294 : i32 to vector<1x1x128xi32>
    %rem3A_296 = arith.remsi %iota3A, %rem3A_295 : vector<1x1x128xi32>
    %ne3A_297 = arith.constant 0 : i32
    %ne3A_298 = vector.broadcast %ne3A_297 : i32 to vector<1x1x128xi32>
    %ne3A_299 = arith.cmpi ne, %rem3A_296, %ne3A_298 : vector<1x1x128xi32>
    %lt3A_300 = arith.constant 0 : i32
    %lt3A_301 = vector.broadcast %lt3A_300 : i32 to vector<1x1x128xi32>
    %lt3A_302 = arith.cmpi slt, %rem3A_296, %lt3A_301 : vector<1x1x128xi32>
    %lt3A_303 = arith.constant 0 : i32
    %lt3A_304 = arith.cmpi slt, %select_n3A_294, %lt3A_303 : i32
    %ne3A_305 = vector.broadcast %lt3A_304 : i1 to vector<1x1x128xi1>
    %ne3A_306 = vector.broadcast %ne3A_305 : vector<1x1x128xi1> to vector<1x1x128xi1>
    %ne3A_307 = arith.xori %lt3A_302, %ne3A_306 : vector<1x1x128xi1>
    %and3A_308 = arith.andi %ne3A_307, %ne3A_299 : vector<1x1x128xi1>
    %add3A_309 = vector.broadcast %select_n3A_294 : i32 to vector<1x1x128xi32>
    %add3A_310 = arith.addi %rem3A_296, %add3A_309 : vector<1x1x128xi32>
    %select_n3A_311 = arith.select %and3A_308, %add3A_310, %rem3A_296 : vector<1x1x128xi1>, vector<1x1x128xi32>
    %lt3A_312 = arith.constant 8 : i32
    %lt3A_313 = vector.broadcast %lt3A_312 : i32 to vector<1x1x128xi32>
    %lt3A_314 = arith.cmpi slt, %select_n3A_311, %lt3A_313 : vector<1x1x128xi32>
    %broadcast_in_dim3A_315 = vector.shape_cast %lt3A_314 : vector<1x1x128xi1> to vector<1x1x128xi1>
    %broadcast_in_dim3A_316 = vector.broadcast %broadcast_in_dim3A_315 : vector<1x1x128xi1> to vector<32x11x128xi1>
    %select_n3A_317 = arith.select %broadcast_in_dim3A_316, %roll3A_287, %roll3A_289 : vector<32x11x128xi1>, vector<32x11x128xf32>
    %gt3A_318 = arith.cmpf ogt, %select_n3A_317, %add3A_41 : vector<32x11x128xf32>
    %convert_element_type3A_319 = arith.extui %gt3A_318 : vector<32x11x128xi1> to vector<32x11x128xi32>
    %convert_element_type3A_320 = arith.sitofp %convert_element_type3A_319 : vector<32x11x128xi32> to vector<32x11x128xf32>
    %add3A_321 = arith.addf %add3A_285, %convert_element_type3A_320 : vector<32x11x128xf32>
    %roll3A_322 = arith.constant 119 : i32
    %roll3A_323 = tpu.dynamic_rotate %add3A_41 by %roll3A_322 dim 2 : vector<32x11x128xf32>, i32 -> vector<32x11x128xf32>
    %roll3A_324 = arith.constant 7 : i32
    %roll3A_325 = tpu.dynamic_rotate %add3A_41 by %roll3A_324 dim 2 : vector<32x11x128xf32>, i32 -> vector<32x11x128xf32>
    %jit3A_326 = arith.constant 16 : i32
    %eq3A_327 = arith.constant 0 : i32
    %eq3A_328 = arith.cmpi eq, %jit3A_326, %eq3A_327 : i32
    %jit3A_329 = arith.constant 1 : i32
    %select_n3A_330 = arith.select %eq3A_328, %jit3A_329, %jit3A_326 : i32
    %rem3A_331 = vector.broadcast %select_n3A_330 : i32 to vector<1x1x128xi32>
    %rem3A_332 = arith.remsi %iota3A, %rem3A_331 : vector<1x1x128xi32>
    %ne3A_333 = arith.constant 0 : i32
    %ne3A_334 = vector.broadcast %ne3A_333 : i32 to vector<1x1x128xi32>
    %ne3A_335 = arith.cmpi ne, %rem3A_332, %ne3A_334 : vector<1x1x128xi32>
    %lt3A_336 = arith.constant 0 : i32
    %lt3A_337 = vector.broadcast %lt3A_336 : i32 to vector<1x1x128xi32>
    %lt3A_338 = arith.cmpi slt, %rem3A_332, %lt3A_337 : vector<1x1x128xi32>
    %lt3A_339 = arith.constant 0 : i32
    %lt3A_340 = arith.cmpi slt, %select_n3A_330, %lt3A_339 : i32
    %ne3A_341 = vector.broadcast %lt3A_340 : i1 to vector<1x1x128xi1>
    %ne3A_342 = vector.broadcast %ne3A_341 : vector<1x1x128xi1> to vector<1x1x128xi1>
    %ne3A_343 = arith.xori %lt3A_338, %ne3A_342 : vector<1x1x128xi1>
    %and3A_344 = arith.andi %ne3A_343, %ne3A_335 : vector<1x1x128xi1>
    %add3A_345 = vector.broadcast %select_n3A_330 : i32 to vector<1x1x128xi32>
    %add3A_346 = arith.addi %rem3A_332, %add3A_345 : vector<1x1x128xi32>
    %select_n3A_347 = arith.select %and3A_344, %add3A_346, %rem3A_332 : vector<1x1x128xi1>, vector<1x1x128xi32>
    %lt3A_348 = arith.constant 7 : i32
    %lt3A_349 = vector.broadcast %lt3A_348 : i32 to vector<1x1x128xi32>
    %lt3A_350 = arith.cmpi slt, %select_n3A_347, %lt3A_349 : vector<1x1x128xi32>
    %broadcast_in_dim3A_351 = vector.shape_cast %lt3A_350 : vector<1x1x128xi1> to vector<1x1x128xi1>
    %broadcast_in_dim3A_352 = vector.broadcast %broadcast_in_dim3A_351 : vector<1x1x128xi1> to vector<32x11x128xi1>
    %select_n3A_353 = arith.select %broadcast_in_dim3A_352, %roll3A_323, %roll3A_325 : vector<32x11x128xi1>, vector<32x11x128xf32>
    %gt3A_354 = arith.cmpf ogt, %select_n3A_353, %add3A_41 : vector<32x11x128xf32>
    %convert_element_type3A_355 = arith.extui %gt3A_354 : vector<32x11x128xi1> to vector<32x11x128xi32>
    %convert_element_type3A_356 = arith.sitofp %convert_element_type3A_355 : vector<32x11x128xi32> to vector<32x11x128xf32>
    %add3A_357 = arith.addf %add3A_321, %convert_element_type3A_356 : vector<32x11x128xf32>
    %roll3A_358 = arith.constant 118 : i32
    %roll3A_359 = tpu.dynamic_rotate %add3A_41 by %roll3A_358 dim 2 : vector<32x11x128xf32>, i32 -> vector<32x11x128xf32>
    %roll3A_360 = arith.constant 6 : i32
    %roll3A_361 = tpu.dynamic_rotate %add3A_41 by %roll3A_360 dim 2 : vector<32x11x128xf32>, i32 -> vector<32x11x128xf32>
    %jit3A_362 = arith.constant 16 : i32
    %eq3A_363 = arith.constant 0 : i32
    %eq3A_364 = arith.cmpi eq, %jit3A_362, %eq3A_363 : i32
    %jit3A_365 = arith.constant 1 : i32
    %select_n3A_366 = arith.select %eq3A_364, %jit3A_365, %jit3A_362 : i32
    %rem3A_367 = vector.broadcast %select_n3A_366 : i32 to vector<1x1x128xi32>
    %rem3A_368 = arith.remsi %iota3A, %rem3A_367 : vector<1x1x128xi32>
    %ne3A_369 = arith.constant 0 : i32
    %ne3A_370 = vector.broadcast %ne3A_369 : i32 to vector<1x1x128xi32>
    %ne3A_371 = arith.cmpi ne, %rem3A_368, %ne3A_370 : vector<1x1x128xi32>
    %lt3A_372 = arith.constant 0 : i32
    %lt3A_373 = vector.broadcast %lt3A_372 : i32 to vector<1x1x128xi32>
    %lt3A_374 = arith.cmpi slt, %rem3A_368, %lt3A_373 : vector<1x1x128xi32>
    %lt3A_375 = arith.constant 0 : i32
    %lt3A_376 = arith.cmpi slt, %select_n3A_366, %lt3A_375 : i32
    %ne3A_377 = vector.broadcast %lt3A_376 : i1 to vector<1x1x128xi1>
    %ne3A_378 = vector.broadcast %ne3A_377 : vector<1x1x128xi1> to vector<1x1x128xi1>
    %ne3A_379 = arith.xori %lt3A_374, %ne3A_378 : vector<1x1x128xi1>
    %and3A_380 = arith.andi %ne3A_379, %ne3A_371 : vector<1x1x128xi1>
    %add3A_381 = vector.broadcast %select_n3A_366 : i32 to vector<1x1x128xi32>
    %add3A_382 = arith.addi %rem3A_368, %add3A_381 : vector<1x1x128xi32>
    %select_n3A_383 = arith.select %and3A_380, %add3A_382, %rem3A_368 : vector<1x1x128xi1>, vector<1x1x128xi32>
    %lt3A_384 = arith.constant 6 : i32
    %lt3A_385 = vector.broadcast %lt3A_384 : i32 to vector<1x1x128xi32>
    %lt3A_386 = arith.cmpi slt, %select_n3A_383, %lt3A_385 : vector<1x1x128xi32>
    %broadcast_in_dim3A_387 = vector.shape_cast %lt3A_386 : vector<1x1x128xi1> to vector<1x1x128xi1>
    %broadcast_in_dim3A_388 = vector.broadcast %broadcast_in_dim3A_387 : vector<1x1x128xi1> to vector<32x11x128xi1>
    %select_n3A_389 = arith.select %broadcast_in_dim3A_388, %roll3A_359, %roll3A_361 : vector<32x11x128xi1>, vector<32x11x128xf32>
    %gt3A_390 = arith.cmpf ogt, %select_n3A_389, %add3A_41 : vector<32x11x128xf32>
    %convert_element_type3A_391 = arith.extui %gt3A_390 : vector<32x11x128xi1> to vector<32x11x128xi32>
    %convert_element_type3A_392 = arith.sitofp %convert_element_type3A_391 : vector<32x11x128xi32> to vector<32x11x128xf32>
    %add3A_393 = arith.addf %add3A_357, %convert_element_type3A_392 : vector<32x11x128xf32>
    %roll3A_394 = arith.constant 117 : i32
    %roll3A_395 = tpu.dynamic_rotate %add3A_41 by %roll3A_394 dim 2 : vector<32x11x128xf32>, i32 -> vector<32x11x128xf32>
    %roll3A_396 = arith.constant 5 : i32
    %roll3A_397 = tpu.dynamic_rotate %add3A_41 by %roll3A_396 dim 2 : vector<32x11x128xf32>, i32 -> vector<32x11x128xf32>
    %jit3A_398 = arith.constant 16 : i32
    %eq3A_399 = arith.constant 0 : i32
    %eq3A_400 = arith.cmpi eq, %jit3A_398, %eq3A_399 : i32
    %jit3A_401 = arith.constant 1 : i32
    %select_n3A_402 = arith.select %eq3A_400, %jit3A_401, %jit3A_398 : i32
    %rem3A_403 = vector.broadcast %select_n3A_402 : i32 to vector<1x1x128xi32>
    %rem3A_404 = arith.remsi %iota3A, %rem3A_403 : vector<1x1x128xi32>
    %ne3A_405 = arith.constant 0 : i32
    %ne3A_406 = vector.broadcast %ne3A_405 : i32 to vector<1x1x128xi32>
    %ne3A_407 = arith.cmpi ne, %rem3A_404, %ne3A_406 : vector<1x1x128xi32>
    %lt3A_408 = arith.constant 0 : i32
    %lt3A_409 = vector.broadcast %lt3A_408 : i32 to vector<1x1x128xi32>
    %lt3A_410 = arith.cmpi slt, %rem3A_404, %lt3A_409 : vector<1x1x128xi32>
    %lt3A_411 = arith.constant 0 : i32
    %lt3A_412 = arith.cmpi slt, %select_n3A_402, %lt3A_411 : i32
    %ne3A_413 = vector.broadcast %lt3A_412 : i1 to vector<1x1x128xi1>
    %ne3A_414 = vector.broadcast %ne3A_413 : vector<1x1x128xi1> to vector<1x1x128xi1>
    %ne3A_415 = arith.xori %lt3A_410, %ne3A_414 : vector<1x1x128xi1>
    %and3A_416 = arith.andi %ne3A_415, %ne3A_407 : vector<1x1x128xi1>
    %add3A_417 = vector.broadcast %select_n3A_402 : i32 to vector<1x1x128xi32>
    %add3A_418 = arith.addi %rem3A_404, %add3A_417 : vector<1x1x128xi32>
    %select_n3A_419 = arith.select %and3A_416, %add3A_418, %rem3A_404 : vector<1x1x128xi1>, vector<1x1x128xi32>
    %lt3A_420 = arith.constant 5 : i32
    %lt3A_421 = vector.broadcast %lt3A_420 : i32 to vector<1x1x128xi32>
    %lt3A_422 = arith.cmpi slt, %select_n3A_419, %lt3A_421 : vector<1x1x128xi32>
    %broadcast_in_dim3A_423 = vector.shape_cast %lt3A_422 : vector<1x1x128xi1> to vector<1x1x128xi1>
    %broadcast_in_dim3A_424 = vector.broadcast %broadcast_in_dim3A_423 : vector<1x1x128xi1> to vector<32x11x128xi1>
    %select_n3A_425 = arith.select %broadcast_in_dim3A_424, %roll3A_395, %roll3A_397 : vector<32x11x128xi1>, vector<32x11x128xf32>
    %gt3A_426 = arith.cmpf ogt, %select_n3A_425, %add3A_41 : vector<32x11x128xf32>
    %convert_element_type3A_427 = arith.extui %gt3A_426 : vector<32x11x128xi1> to vector<32x11x128xi32>
    %convert_element_type3A_428 = arith.sitofp %convert_element_type3A_427 : vector<32x11x128xi32> to vector<32x11x128xf32>
    %add3A_429 = arith.addf %add3A_393, %convert_element_type3A_428 : vector<32x11x128xf32>
    %roll3A_430 = arith.constant 116 : i32
    %roll3A_431 = tpu.dynamic_rotate %add3A_41 by %roll3A_430 dim 2 : vector<32x11x128xf32>, i32 -> vector<32x11x128xf32>
    %roll3A_432 = arith.constant 4 : i32
    %roll3A_433 = tpu.dynamic_rotate %add3A_41 by %roll3A_432 dim 2 : vector<32x11x128xf32>, i32 -> vector<32x11x128xf32>
    %jit3A_434 = arith.constant 16 : i32
    %eq3A_435 = arith.constant 0 : i32
    %eq3A_436 = arith.cmpi eq, %jit3A_434, %eq3A_435 : i32
    %jit3A_437 = arith.constant 1 : i32
    %select_n3A_438 = arith.select %eq3A_436, %jit3A_437, %jit3A_434 : i32
    %rem3A_439 = vector.broadcast %select_n3A_438 : i32 to vector<1x1x128xi32>
    %rem3A_440 = arith.remsi %iota3A, %rem3A_439 : vector<1x1x128xi32>
    %ne3A_441 = arith.constant 0 : i32
    %ne3A_442 = vector.broadcast %ne3A_441 : i32 to vector<1x1x128xi32>
    %ne3A_443 = arith.cmpi ne, %rem3A_440, %ne3A_442 : vector<1x1x128xi32>
    %lt3A_444 = arith.constant 0 : i32
    %lt3A_445 = vector.broadcast %lt3A_444 : i32 to vector<1x1x128xi32>
    %lt3A_446 = arith.cmpi slt, %rem3A_440, %lt3A_445 : vector<1x1x128xi32>
    %lt3A_447 = arith.constant 0 : i32
    %lt3A_448 = arith.cmpi slt, %select_n3A_438, %lt3A_447 : i32
    %ne3A_449 = vector.broadcast %lt3A_448 : i1 to vector<1x1x128xi1>
    %ne3A_450 = vector.broadcast %ne3A_449 : vector<1x1x128xi1> to vector<1x1x128xi1>
    %ne3A_451 = arith.xori %lt3A_446, %ne3A_450 : vector<1x1x128xi1>
    %and3A_452 = arith.andi %ne3A_451, %ne3A_443 : vector<1x1x128xi1>
    %add3A_453 = vector.broadcast %select_n3A_438 : i32 to vector<1x1x128xi32>
    %add3A_454 = arith.addi %rem3A_440, %add3A_453 : vector<1x1x128xi32>
    %select_n3A_455 = arith.select %and3A_452, %add3A_454, %rem3A_440 : vector<1x1x128xi1>, vector<1x1x128xi32>
    %lt3A_456 = arith.constant 4 : i32
    %lt3A_457 = vector.broadcast %lt3A_456 : i32 to vector<1x1x128xi32>
    %lt3A_458 = arith.cmpi slt, %select_n3A_455, %lt3A_457 : vector<1x1x128xi32>
    %broadcast_in_dim3A_459 = vector.shape_cast %lt3A_458 : vector<1x1x128xi1> to vector<1x1x128xi1>
    %broadcast_in_dim3A_460 = vector.broadcast %broadcast_in_dim3A_459 : vector<1x1x128xi1> to vector<32x11x128xi1>
    %select_n3A_461 = arith.select %broadcast_in_dim3A_460, %roll3A_431, %roll3A_433 : vector<32x11x128xi1>, vector<32x11x128xf32>
    %gt3A_462 = arith.cmpf ogt, %select_n3A_461, %add3A_41 : vector<32x11x128xf32>
    %convert_element_type3A_463 = arith.extui %gt3A_462 : vector<32x11x128xi1> to vector<32x11x128xi32>
    %convert_element_type3A_464 = arith.sitofp %convert_element_type3A_463 : vector<32x11x128xi32> to vector<32x11x128xf32>
    %add3A_465 = arith.addf %add3A_429, %convert_element_type3A_464 : vector<32x11x128xf32>
    %roll3A_466 = arith.constant 115 : i32
    %roll3A_467 = tpu.dynamic_rotate %add3A_41 by %roll3A_466 dim 2 : vector<32x11x128xf32>, i32 -> vector<32x11x128xf32>
    %roll3A_468 = arith.constant 3 : i32
    %roll3A_469 = tpu.dynamic_rotate %add3A_41 by %roll3A_468 dim 2 : vector<32x11x128xf32>, i32 -> vector<32x11x128xf32>
    %jit3A_470 = arith.constant 16 : i32
    %eq3A_471 = arith.constant 0 : i32
    %eq3A_472 = arith.cmpi eq, %jit3A_470, %eq3A_471 : i32
    %jit3A_473 = arith.constant 1 : i32
    %select_n3A_474 = arith.select %eq3A_472, %jit3A_473, %jit3A_470 : i32
    %rem3A_475 = vector.broadcast %select_n3A_474 : i32 to vector<1x1x128xi32>
    %rem3A_476 = arith.remsi %iota3A, %rem3A_475 : vector<1x1x128xi32>
    %ne3A_477 = arith.constant 0 : i32
    %ne3A_478 = vector.broadcast %ne3A_477 : i32 to vector<1x1x128xi32>
    %ne3A_479 = arith.cmpi ne, %rem3A_476, %ne3A_478 : vector<1x1x128xi32>
    %lt3A_480 = arith.constant 0 : i32
    %lt3A_481 = vector.broadcast %lt3A_480 : i32 to vector<1x1x128xi32>
    %lt3A_482 = arith.cmpi slt, %rem3A_476, %lt3A_481 : vector<1x1x128xi32>
    %lt3A_483 = arith.constant 0 : i32
    %lt3A_484 = arith.cmpi slt, %select_n3A_474, %lt3A_483 : i32
    %ne3A_485 = vector.broadcast %lt3A_484 : i1 to vector<1x1x128xi1>
    %ne3A_486 = vector.broadcast %ne3A_485 : vector<1x1x128xi1> to vector<1x1x128xi1>
    %ne3A_487 = arith.xori %lt3A_482, %ne3A_486 : vector<1x1x128xi1>
    %and3A_488 = arith.andi %ne3A_487, %ne3A_479 : vector<1x1x128xi1>
    %add3A_489 = vector.broadcast %select_n3A_474 : i32 to vector<1x1x128xi32>
    %add3A_490 = arith.addi %rem3A_476, %add3A_489 : vector<1x1x128xi32>
    %select_n3A_491 = arith.select %and3A_488, %add3A_490, %rem3A_476 : vector<1x1x128xi1>, vector<1x1x128xi32>
    %lt3A_492 = arith.constant 3 : i32
    %lt3A_493 = vector.broadcast %lt3A_492 : i32 to vector<1x1x128xi32>
    %lt3A_494 = arith.cmpi slt, %select_n3A_491, %lt3A_493 : vector<1x1x128xi32>
    %broadcast_in_dim3A_495 = vector.shape_cast %lt3A_494 : vector<1x1x128xi1> to vector<1x1x128xi1>
    %broadcast_in_dim3A_496 = vector.broadcast %broadcast_in_dim3A_495 : vector<1x1x128xi1> to vector<32x11x128xi1>
    %select_n3A_497 = arith.select %broadcast_in_dim3A_496, %roll3A_467, %roll3A_469 : vector<32x11x128xi1>, vector<32x11x128xf32>
    %gt3A_498 = arith.cmpf ogt, %select_n3A_497, %add3A_41 : vector<32x11x128xf32>
    %convert_element_type3A_499 = arith.extui %gt3A_498 : vector<32x11x128xi1> to vector<32x11x128xi32>
    %convert_element_type3A_500 = arith.sitofp %convert_element_type3A_499 : vector<32x11x128xi32> to vector<32x11x128xf32>
    %add3A_501 = arith.addf %add3A_465, %convert_element_type3A_500 : vector<32x11x128xf32>
    %roll3A_502 = arith.constant 114 : i32
    %roll3A_503 = tpu.dynamic_rotate %add3A_41 by %roll3A_502 dim 2 : vector<32x11x128xf32>, i32 -> vector<32x11x128xf32>
    %roll3A_504 = arith.constant 2 : i32
    %roll3A_505 = tpu.dynamic_rotate %add3A_41 by %roll3A_504 dim 2 : vector<32x11x128xf32>, i32 -> vector<32x11x128xf32>
    %jit3A_506 = arith.constant 16 : i32
    %eq3A_507 = arith.constant 0 : i32
    %eq3A_508 = arith.cmpi eq, %jit3A_506, %eq3A_507 : i32
    %jit3A_509 = arith.constant 1 : i32
    %select_n3A_510 = arith.select %eq3A_508, %jit3A_509, %jit3A_506 : i32
    %rem3A_511 = vector.broadcast %select_n3A_510 : i32 to vector<1x1x128xi32>
    %rem3A_512 = arith.remsi %iota3A, %rem3A_511 : vector<1x1x128xi32>
    %ne3A_513 = arith.constant 0 : i32
    %ne3A_514 = vector.broadcast %ne3A_513 : i32 to vector<1x1x128xi32>
    %ne3A_515 = arith.cmpi ne, %rem3A_512, %ne3A_514 : vector<1x1x128xi32>
    %lt3A_516 = arith.constant 0 : i32
    %lt3A_517 = vector.broadcast %lt3A_516 : i32 to vector<1x1x128xi32>
    %lt3A_518 = arith.cmpi slt, %rem3A_512, %lt3A_517 : vector<1x1x128xi32>
    %lt3A_519 = arith.constant 0 : i32
    %lt3A_520 = arith.cmpi slt, %select_n3A_510, %lt3A_519 : i32
    %ne3A_521 = vector.broadcast %lt3A_520 : i1 to vector<1x1x128xi1>
    %ne3A_522 = vector.broadcast %ne3A_521 : vector<1x1x128xi1> to vector<1x1x128xi1>
    %ne3A_523 = arith.xori %lt3A_518, %ne3A_522 : vector<1x1x128xi1>
    %and3A_524 = arith.andi %ne3A_523, %ne3A_515 : vector<1x1x128xi1>
    %add3A_525 = vector.broadcast %select_n3A_510 : i32 to vector<1x1x128xi32>
    %add3A_526 = arith.addi %rem3A_512, %add3A_525 : vector<1x1x128xi32>
    %select_n3A_527 = arith.select %and3A_524, %add3A_526, %rem3A_512 : vector<1x1x128xi1>, vector<1x1x128xi32>
    %lt3A_528 = arith.constant 2 : i32
    %lt3A_529 = vector.broadcast %lt3A_528 : i32 to vector<1x1x128xi32>
    %lt3A_530 = arith.cmpi slt, %select_n3A_527, %lt3A_529 : vector<1x1x128xi32>
    %broadcast_in_dim3A_531 = vector.shape_cast %lt3A_530 : vector<1x1x128xi1> to vector<1x1x128xi1>
    %broadcast_in_dim3A_532 = vector.broadcast %broadcast_in_dim3A_531 : vector<1x1x128xi1> to vector<32x11x128xi1>
    %select_n3A_533 = arith.select %broadcast_in_dim3A_532, %roll3A_503, %roll3A_505 : vector<32x11x128xi1>, vector<32x11x128xf32>
    %gt3A_534 = arith.cmpf ogt, %select_n3A_533, %add3A_41 : vector<32x11x128xf32>
    %convert_element_type3A_535 = arith.extui %gt3A_534 : vector<32x11x128xi1> to vector<32x11x128xi32>
    %convert_element_type3A_536 = arith.sitofp %convert_element_type3A_535 : vector<32x11x128xi32> to vector<32x11x128xf32>
    %add3A_537 = arith.addf %add3A_501, %convert_element_type3A_536 : vector<32x11x128xf32>
    %roll3A_538 = arith.constant 113 : i32
    %roll3A_539 = tpu.dynamic_rotate %add3A_41 by %roll3A_538 dim 2 : vector<32x11x128xf32>, i32 -> vector<32x11x128xf32>
    %roll3A_540 = arith.constant 1 : i32
    %roll3A_541 = tpu.dynamic_rotate %add3A_41 by %roll3A_540 dim 2 : vector<32x11x128xf32>, i32 -> vector<32x11x128xf32>
    %jit3A_542 = arith.constant 16 : i32
    %eq3A_543 = arith.constant 0 : i32
    %eq3A_544 = arith.cmpi eq, %jit3A_542, %eq3A_543 : i32
    %jit3A_545 = arith.constant 1 : i32
    %select_n3A_546 = arith.select %eq3A_544, %jit3A_545, %jit3A_542 : i32
    %rem3A_547 = vector.broadcast %select_n3A_546 : i32 to vector<1x1x128xi32>
    %rem3A_548 = arith.remsi %iota3A, %rem3A_547 : vector<1x1x128xi32>
    %ne3A_549 = arith.constant 0 : i32
    %ne3A_550 = vector.broadcast %ne3A_549 : i32 to vector<1x1x128xi32>
    %ne3A_551 = arith.cmpi ne, %rem3A_548, %ne3A_550 : vector<1x1x128xi32>
    %lt3A_552 = arith.constant 0 : i32
    %lt3A_553 = vector.broadcast %lt3A_552 : i32 to vector<1x1x128xi32>
    %lt3A_554 = arith.cmpi slt, %rem3A_548, %lt3A_553 : vector<1x1x128xi32>
    %lt3A_555 = arith.constant 0 : i32
    %lt3A_556 = arith.cmpi slt, %select_n3A_546, %lt3A_555 : i32
    %ne3A_557 = vector.broadcast %lt3A_556 : i1 to vector<1x1x128xi1>
    %ne3A_558 = vector.broadcast %ne3A_557 : vector<1x1x128xi1> to vector<1x1x128xi1>
    %ne3A_559 = arith.xori %lt3A_554, %ne3A_558 : vector<1x1x128xi1>
    %and3A_560 = arith.andi %ne3A_559, %ne3A_551 : vector<1x1x128xi1>
    %add3A_561 = vector.broadcast %select_n3A_546 : i32 to vector<1x1x128xi32>
    %add3A_562 = arith.addi %rem3A_548, %add3A_561 : vector<1x1x128xi32>
    %select_n3A_563 = arith.select %and3A_560, %add3A_562, %rem3A_548 : vector<1x1x128xi1>, vector<1x1x128xi32>
    %lt3A_564 = arith.constant 1 : i32
    %lt3A_565 = vector.broadcast %lt3A_564 : i32 to vector<1x1x128xi32>
    %lt3A_566 = arith.cmpi slt, %select_n3A_563, %lt3A_565 : vector<1x1x128xi32>
    %broadcast_in_dim3A_567 = vector.shape_cast %lt3A_566 : vector<1x1x128xi1> to vector<1x1x128xi1>
    %broadcast_in_dim3A_568 = vector.broadcast %broadcast_in_dim3A_567 : vector<1x1x128xi1> to vector<32x11x128xi1>
    %select_n3A_569 = arith.select %broadcast_in_dim3A_568, %roll3A_539, %roll3A_541 : vector<32x11x128xi1>, vector<32x11x128xf32>
    %gt3A_570 = arith.cmpf ogt, %select_n3A_569, %add3A_41 : vector<32x11x128xf32>
    %convert_element_type3A_571 = arith.extui %gt3A_570 : vector<32x11x128xi1> to vector<32x11x128xi32>
    %convert_element_type3A_572 = arith.sitofp %convert_element_type3A_571 : vector<32x11x128xi32> to vector<32x11x128xf32>
    %add3A_573 = arith.addf %add3A_537, %convert_element_type3A_572 : vector<32x11x128xf32>
    %iota3A_574 = tpu.iota {dimensions = array<i32: 1>} : vector<32x11x128xi32>
    %add3A_575 = arith.constant 1 : i32
    %add3A_576 = vector.broadcast %add3A_575 : i32 to vector<32x11x128xi32>
    %add3A_577 = arith.addi %iota3A_574, %add3A_576 : vector<32x11x128xi32>
    %convert_element_type3A_578 = arith.sitofp %add3A_577 : vector<32x11x128xi32> to vector<32x11x128xf32>
    %ge3A = arith.cmpf oge, %add3A_573, %convert_element_type3A_578 : vector<32x11x128xf32>
    %convert_element_type3A_579 = arith.extui %ge3A : vector<32x11x128xi1> to vector<32x11x128xi32>
    %convert_element_type3A_580 = arith.sitofp %convert_element_type3A_579 : vector<32x11x128xi32> to vector<32x11x128xf32>
    %broadcast_in_dim3A_581 = vector.shape_cast %concatenate3A_39 : vector<32x128xf32> to vector<32x1x128xf32>
    %mul3A = vector.broadcast %broadcast_in_dim3A_581 : vector<32x1x128xf32> to vector<32x11x128xf32>
    %mul3A_582 = arith.mulf %mul3A, %convert_element_type3A_580 : vector<32x11x128xf32>
    %reshape3A = vector.shape_cast %mul3A_582 : vector<32x11x128xf32> to vector<352x128xf32>
    %get3A_583 = arith.constant 0 : index
    %get3A_584 = arith.constant 0 : index
    %get3A_585 = vector.load %arg4[%get3A_583, %get3A_584] : memref<128x128xf32, #tpu.memory_space<vmem>>, vector<128x128xf32>
    %dot_general3A = arith.constant dense<0.000000e+00> : vector<352x128xf32>
    %dot_general3A_586 = tpu.matmul %reshape3A, %get3A_585, %dot_general3A {dimension_numbers = #tpu.dot_dimension_numbers<[1], [0], [0], [1], [0, 0, 1, 1], [], []>, precision = #tpu.contract_precision<fp32>, transpose_lhs_hint = false} : vector<352x128xf32>, vector<128x128xf32>, vector<352x128xf32> -> vector<352x128xf32>
    %div3A = arith.divf %reshape3A, %dot_general3A_586 : vector<352x128xf32>
    %reshape3A_587 = vector.shape_cast %div3A : vector<352x128xf32> to vector<32x11x128xf32>
    %reduce_sum3A = arith.constant dense<0.000000e+00> : vector<32x128xf32>
    %reduce_sum3A_588 = vector.multi_reduction <add>, %reshape3A_587, %reduce_sum3A [1] : vector<32x11x128xf32> to vector<32x128xf32>
    %get3A_589 = arith.constant 0 : index
    %get3A_590 = arith.constant 0 : index
    %get3A_591 = vector.load %arg5[%get3A_589, %get3A_590] : memref<128x16xf32, #tpu.memory_space<vmem>>, vector<128x16xf32>
    %dot_general3A_592 = arith.constant dense<0.000000e+00> : vector<32x16xf32>
    %dot_general3A_593 = tpu.matmul %reduce_sum3A_588, %get3A_591, %dot_general3A_592 {dimension_numbers = #tpu.dot_dimension_numbers<[1], [0], [0], [1], [0, 0, 1, 1], [], []>, precision = #tpu.contract_precision<fp32>, transpose_lhs_hint = false} : vector<32x128xf32>, vector<128x16xf32>, vector<32x16xf32> -> vector<32x16xf32>
    %reduce_sum3A_594 = arith.constant dense<0.000000e+00> : vector<32xf32>
    %reduce_sum3A_595 = vector.multi_reduction <add>, %get3A_1, %reduce_sum3A_594 [1] : vector<32x16xf32> to vector<32xf32>
    %broadcast_in_dim3A_596 = vector.shape_cast %reduce_sum3A_595 : vector<32xf32> to vector<32x1xf32>
    %div3A_597 = vector.broadcast %broadcast_in_dim3A_596 : vector<32x1xf32> to vector<32x16xf32>
    %div3A_598 = arith.divf %get3A_1, %div3A_597 : vector<32x16xf32>
    %mul3A_599 = arith.constant 8.000000e+00 : f32
    %mul3A_600 = vector.broadcast %mul3A_599 : f32 to vector<32x16xf32>
    %mul3A_601 = arith.mulf %mul3A_600, %div3A_598 : vector<32x16xf32>
    %add3A_602 = arith.addf %dot_general3A_593, %mul3A_601 : vector<32x16xf32>
    %mul3A_603 = arith.constant 0.010416667 : f32
    %mul3A_604 = vector.broadcast %mul3A_603 : f32 to vector<32x16xf32>
    %mul3A_605 = arith.mulf %add3A_602, %mul3A_604 : vector<32x16xf32>
    %get3A_606 = arith.constant 0 : index
    %get3A_607 = arith.constant 0 : index
    %get3A_608 = arith.constant 0 : index
    %get3A_609 = vector.load %arg3[%get3A_606, %get3A_607, %get3A_608] : memref<32x16x1280xf32, #tpu.memory_space<vmem>>, vector<32x16x1280xf32>
    %reshape3A_610 = vector.shape_cast %get3A_609 : vector<32x16x1280xf32> to vector<512x1280xf32>
    %concatenate3A_611 = tpu.concatenate %mul3A_605, %mul3A_605, %mul3A_605, %mul3A_605, %mul3A_605, %mul3A_605, %mul3A_605, %mul3A_605, %mul3A_605, %mul3A_605, %mul3A_605, %mul3A_605, %mul3A_605, %mul3A_605, %mul3A_605, %mul3A_605, %mul3A_605, %mul3A_605, %mul3A_605, %mul3A_605, %mul3A_605, %mul3A_605, %mul3A_605, %mul3A_605, %mul3A_605, %mul3A_605, %mul3A_605, %mul3A_605, %mul3A_605, %mul3A_605, %mul3A_605, %mul3A_605 in 1 : vector<32x16xf32>, vector<32x16xf32>, vector<32x16xf32>, vector<32x16xf32>, vector<32x16xf32>, vector<32x16xf32>, vector<32x16xf32>, vector<32x16xf32>, vector<32x16xf32>, vector<32x16xf32>, vector<32x16xf32>, vector<32x16xf32>, vector<32x16xf32>, vector<32x16xf32>, vector<32x16xf32>, vector<32x16xf32>, vector<32x16xf32>, vector<32x16xf32>, vector<32x16xf32>, vector<32x16xf32>, vector<32x16xf32>, vector<32x16xf32>, vector<32x16xf32>, vector<32x16xf32>, vector<32x16xf32>, vector<32x16xf32>, vector<32x16xf32>, vector<32x16xf32>, vector<32x16xf32>, vector<32x16xf32>, vector<32x16xf32>, vector<32x16xf32> -> vector<32x512xf32>
    %iota3A_612 = tpu.iota {dimensions = array<i32: 1>} : vector<32x512xi32>
    %iota3A_613 = tpu.iota {dimensions = array<i32: 0>} : vector<32x512xi32>
    %jit3A_614 = arith.constant 16 : i32
    %div3A_615 = vector.broadcast %jit3A_614 : i32 to vector<32x512xi32>
    %div3A_616 = arith.divsi %iota3A_612, %div3A_615 : vector<32x512xi32>
    %sign3A = arith.constant 0 : i32
    %sign3A_617 = vector.broadcast %sign3A : i32 to vector<32x512xi32>
    %sign3A_618 = arith.cmpi sgt, %iota3A_612, %sign3A_617 : vector<32x512xi32>
    %sign3A_619 = arith.extui %sign3A_618 : vector<32x512xi1> to vector<32x512xi32>
    %sign3A_620 = arith.constant 0 : i32
    %sign3A_621 = vector.broadcast %sign3A_620 : i32 to vector<32x512xi32>
    %sign3A_622 = arith.cmpi slt, %iota3A_612, %sign3A_621 : vector<32x512xi32>
    %sign3A_623 = arith.extui %sign3A_622 : vector<32x512xi1> to vector<32x512xi32>
    %sign3A_624 = arith.subi %sign3A_619, %sign3A_623 : vector<32x512xi32>
    %sign3A_625 = arith.constant 0 : i32
    %sign3A_626 = arith.cmpi sgt, %jit3A_614, %sign3A_625 : i32
    %sign3A_627 = arith.extui %sign3A_626 : i1 to i32
    %sign3A_628 = arith.constant 0 : i32
    %sign3A_629 = arith.cmpi slt, %jit3A_614, %sign3A_628 : i32
    %sign3A_630 = arith.extui %sign3A_629 : i1 to i32
    %sign3A_631 = arith.subi %sign3A_627, %sign3A_630 : i32
    %ne3A_632 = vector.broadcast %sign3A_631 : i32 to vector<32x512xi32>
    %ne3A_633 = arith.cmpi ne, %sign3A_624, %ne3A_632 : vector<32x512xi32>
    %rem3A_634 = vector.broadcast %jit3A_614 : i32 to vector<32x512xi32>
    %rem3A_635 = arith.remsi %iota3A_612, %rem3A_634 : vector<32x512xi32>
    %ne3A_636 = arith.constant 0 : i32
    %ne3A_637 = vector.broadcast %ne3A_636 : i32 to vector<32x512xi32>
    %ne3A_638 = arith.cmpi ne, %rem3A_635, %ne3A_637 : vector<32x512xi32>
    %and3A_639 = arith.andi %ne3A_633, %ne3A_638 : vector<32x512xi1>
    %sub3A = arith.constant 1 : i32
    %sub3A_640 = vector.broadcast %sub3A : i32 to vector<32x512xi32>
    %sub3A_641 = arith.subi %div3A_616, %sub3A_640 : vector<32x512xi32>
    %select_n3A_642 = arith.select %and3A_639, %sub3A_641, %div3A_616 : vector<32x512xi1>, vector<32x512xi32>
    %eq3A_643 = arith.cmpi eq, %select_n3A_642, %iota3A_613 : vector<32x512xi32>
    %jit3A_644 = arith.constant 0.000000e+00 : f32
    %broadcast_in_dim3A_645 = vector.broadcast %jit3A_644 : f32 to vector<32x512xf32>
    %select_n3A_646 = arith.select %eq3A_643, %concatenate3A_611, %broadcast_in_dim3A_645 : vector<32x512xi1>, vector<32x512xf32>
    %dot_general3A_647 = arith.constant dense<0.000000e+00> : vector<32x1280xf32>
    %dot_general3A_648 = tpu.matmul %select_n3A_646, %reshape3A_610, %dot_general3A_647 {dimension_numbers = #tpu.dot_dimension_numbers<[1], [0], [0], [1], [0, 0, 1, 1], [], []>, transpose_lhs_hint = false} : vector<32x512xf32>, vector<512x1280xf32>, vector<32x1280xf32> -> vector<32x1280xf32>
    %swap3A = arith.constant 0 : index
    %swap3A_649 = arith.constant 0 : index
    %swap3A_650 = vector.load %arg6[%swap3A, %swap3A_649] : memref<32x1280xf32, #tpu.memory_space<vmem>>, vector<32x1280xf32>
    tpu.vector_store %arg6[%swap3A, %swap3A_649], %dot_general3A_648 {strides = array<i32>} : memref<32x1280xf32, #tpu.memory_space<vmem>>, vector<32x1280xf32>,
    %iota3A_651 = tpu.iota {dimensions = array<i32: 1>} : vector<32x12xi32>
    %convert_element_type3A_652 = arith.sitofp %iota3A_651 : vector<32x12xi32> to vector<32x12xf32>
    %add3A_653 = arith.constant 5.000000e-01 : f32
    %add3A_654 = vector.broadcast %add3A_653 : f32 to vector<32x12xf32>
    %add3A_655 = arith.addf %convert_element_type3A_652, %add3A_654 : vector<32x12xf32>
    %div3A_656 = arith.constant 1.200000e+01 : f32
    %div3A_657 = vector.broadcast %div3A_656 : f32 to vector<32x12xf32>
    %div3A_658 = arith.divf %add3A_655, %div3A_657 : vector<32x12xf32>
    %broadcast_in_dim3A_659 = vector.shape_cast %concatenate3A : vector<32x16xf32> to vector<32x1x16xf32>
    %broadcast_in_dim3A_660 = vector.shape_cast %div3A_658 : vector<32x12xf32> to vector<32x12x1xf32>
    %iota3A_661 = tpu.iota {dimensions = array<i32: 2>} : vector<1x1x16xi32>
    %lt3A_662 = arith.constant 15 : i32
    %lt3A_663 = vector.broadcast %lt3A_662 : i32 to vector<1x1x16xi32>
    %lt3A_664 = arith.cmpi slt, %iota3A_661, %lt3A_663 : vector<1x1x16xi32>
    %lt3A_665 = vector.broadcast %broadcast_in_dim3A_659 : vector<32x1x16xf32> to vector<32x12x16xf32>
    %lt3A_666 = vector.broadcast %broadcast_in_dim3A_660 : vector<32x12x1xf32> to vector<32x12x16xf32>
    %lt3A_667 = arith.cmpf olt, %lt3A_665, %lt3A_666 : vector<32x12x16xf32>
    %and3A_668 = vector.broadcast %lt3A_664 : vector<1x1x16xi1> to vector<32x12x16xi1>
    %and3A_669 = arith.andi %lt3A_667, %and3A_668 : vector<32x12x16xi1>
    %convert_element_type3A_670 = arith.extui %and3A_669 : vector<32x12x16xi1> to vector<32x12x16xi32>
    %reduce_sum3A_671 = arith.constant dense<0> : vector<32x12xi32>
    %reduce_sum3A_672 = vector.multi_reduction <add>, %convert_element_type3A_670, %reduce_sum3A_671 [2] : vector<32x12x16xi32> to vector<32x12xi32>
    %jit3A_673 = arith.constant -1.000000e+00 : f32
    %broadcast_in_dim3A_674 = vector.shape_cast %broadcast_in_dim3A_659 : vector<32x1x16xf32> to vector<32x1x16xf32>
    %broadcast_in_dim3A_675 = vector.broadcast %broadcast_in_dim3A_674 : vector<32x1x16xf32> to vector<32x12x16xf32>
    %broadcast_in_dim3A_676 = vector.broadcast %jit3A_673 : f32 to vector<32x12x16xf32>
    %select_n3A_677 = arith.select %and3A_669, %broadcast_in_dim3A_675, %broadcast_in_dim3A_676 : vector<32x12x16xi1>, vector<32x12x16xf32>
    %reduce_max3A = arith.constant dense<0xFF800000> : vector<32x12xf32>
    %reduce_max3A_678 = vector.multi_reduction <maximumf>, %select_n3A_677, %reduce_max3A [2] : vector<32x12x16xf32> to vector<32x12xf32>
    %max3A = arith.constant 0.000000e+00 : f32
    %max3A_679 = vector.broadcast %max3A : f32 to vector<32x12xf32>
    %max3A_680 = arith.maximumf %reduce_max3A_678, %max3A_679 : vector<32x12xf32>
    %lt3A_681 = vector.broadcast %broadcast_in_dim3A_659 : vector<32x1x16xf32> to vector<32x12x16xf32>
    %lt3A_682 = vector.broadcast %broadcast_in_dim3A_660 : vector<32x12x1xf32> to vector<32x12x16xf32>
    %lt3A_683 = arith.cmpf olt, %lt3A_681, %lt3A_682 : vector<32x12x16xf32>
    %not3A = arith.constant dense<true> : vector<32x12x16xi1>
    %not3A_684 = arith.xori %lt3A_683, %not3A : vector<32x12x16xi1>
    %and3A_685 = vector.broadcast %lt3A_664 : vector<1x1x16xi1> to vector<32x12x16xi1>
    %and3A_686 = arith.andi %not3A_684, %and3A_685 : vector<32x12x16xi1>
    %jit3A_687 = arith.constant 3.000000e+00 : f32
    %broadcast_in_dim3A_688 = vector.shape_cast %broadcast_in_dim3A_659 : vector<32x1x16xf32> to vector<32x1x16xf32>
    %broadcast_in_dim3A_689 = vector.broadcast %broadcast_in_dim3A_688 : vector<32x1x16xf32> to vector<32x12x16xf32>
    %broadcast_in_dim3A_690 = vector.broadcast %jit3A_687 : f32 to vector<32x12x16xf32>
    %select_n3A_691 = arith.select %and3A_686, %broadcast_in_dim3A_689, %broadcast_in_dim3A_690 : vector<32x12x16xi1>, vector<32x12x16xf32>
    %reduce_min3A = arith.constant dense<0x7F800000> : vector<32x12xf32>
    %reduce_min3A_692 = vector.multi_reduction <minimumf>, %select_n3A_691, %reduce_min3A [2] : vector<32x12x16xf32> to vector<32x12xf32>
    %min3A = arith.constant 1.000000e+00 : f32
    %min3A_693 = vector.broadcast %min3A : f32 to vector<32x12xf32>
    %min3A_694 = arith.minimumf %reduce_min3A_692, %min3A_693 : vector<32x12xf32>
    %convert_element_type3A_695 = arith.sitofp %reduce_sum3A_672 : vector<32x12xi32> to vector<32x12xf32>
    %div3A_696 = arith.constant 1.600000e+01 : f32
    %div3A_697 = vector.broadcast %div3A_696 : f32 to vector<32x12xf32>
    %div3A_698 = arith.divf %convert_element_type3A_695, %div3A_697 : vector<32x12xf32>
    %add3A_699 = arith.constant 1 : i32
    %add3A_700 = vector.broadcast %add3A_699 : i32 to vector<32x12xi32>
    %add3A_701 = arith.addi %reduce_sum3A_672, %add3A_700 : vector<32x12xi32>
    %convert_element_type3A_702 = arith.sitofp %add3A_701 : vector<32x12xi32> to vector<32x12xf32>
    %div3A_703 = arith.constant 1.600000e+01 : f32
    %div3A_704 = vector.broadcast %div3A_703 : f32 to vector<32x12xf32>
    %div3A_705 = arith.divf %convert_element_type3A_702, %div3A_704 : vector<32x12xf32>
    %sub3A_706 = arith.subf %div3A_658, %max3A_680 : vector<32x12xf32>
    %mul3A_707 = arith.mulf %div3A_705, %sub3A_706 : vector<32x12xf32>
    %sub3A_708 = arith.subf %div3A_658, %min3A_694 : vector<32x12xf32>
    %mul3A_709 = arith.mulf %div3A_698, %sub3A_708 : vector<32x12xf32>
    %sub3A_710 = arith.subf %mul3A_707, %mul3A_709 : vector<32x12xf32>
    %sub3A_711 = arith.subf %min3A_694, %max3A_680 : vector<32x12xf32>
    %div3A_712 = arith.divf %sub3A_710, %sub3A_711 : vector<32x12xf32>
    %mul3A_713 = arith.constant 9.600000e+01 : f32
    %mul3A_714 = vector.broadcast %mul3A_713 : f32 to vector<32x12xf32>
    %mul3A_715 = arith.mulf %div3A_712, %mul3A_714 : vector<32x12xf32>
    %floor3A = math.floor %mul3A_715 : vector<32x12xf32>
    %convert_element_type3A_716 = arith.fptosi %floor3A : vector<32x12xf32> to vector<32x12xi32>
    %slice3A_717 = vector.extract_strided_slice %convert_element_type3A_716 {offsets = [0, 0], sizes = [32, 1], strides = [1, 1]} : vector<32x12xi32> to vector<32x1xi32>
    %max3A_718 = arith.constant 0 : i32
    %max3A_719 = vector.broadcast %max3A_718 : i32 to vector<32x1xi32>
    %max3A_720 = arith.maxsi %slice3A_717, %max3A_719 : vector<32x1xi32>
    %slice3A_721 = vector.extract_strided_slice %convert_element_type3A_716 {offsets = [0, 1], sizes = [32, 1], strides = [1, 1]} : vector<32x12xi32> to vector<32x1xi32>
    %gt3A_722 = arith.cmpi sgt, %slice3A_721, %max3A_720 : vector<32x1xi32>
    %add3A_723 = arith.constant 1 : i32
    %add3A_724 = vector.broadcast %add3A_723 : i32 to vector<32x1xi32>
    %add3A_725 = arith.addi %max3A_720, %add3A_724 : vector<32x1xi32>
    %select_n3A_726 = arith.select %gt3A_722, %slice3A_721, %add3A_725 : vector<32x1xi1>, vector<32x1xi32>
    %slice3A_727 = vector.extract_strided_slice %convert_element_type3A_716 {offsets = [0, 2], sizes = [32, 1], strides = [1, 1]} : vector<32x12xi32> to vector<32x1xi32>
    %gt3A_728 = arith.cmpi sgt, %slice3A_727, %select_n3A_726 : vector<32x1xi32>
    %add3A_729 = arith.constant 1 : i32
    %add3A_730 = vector.broadcast %add3A_729 : i32 to vector<32x1xi32>
    %add3A_731 = arith.addi %select_n3A_726, %add3A_730 : vector<32x1xi32>
    %select_n3A_732 = arith.select %gt3A_728, %slice3A_727, %add3A_731 : vector<32x1xi1>, vector<32x1xi32>
    %slice3A_733 = vector.extract_strided_slice %convert_element_type3A_716 {offsets = [0, 3], sizes = [32, 1], strides = [1, 1]} : vector<32x12xi32> to vector<32x1xi32>
    %gt3A_734 = arith.cmpi sgt, %slice3A_733, %select_n3A_732 : vector<32x1xi32>
    %add3A_735 = arith.constant 1 : i32
    %add3A_736 = vector.broadcast %add3A_735 : i32 to vector<32x1xi32>
    %add3A_737 = arith.addi %select_n3A_732, %add3A_736 : vector<32x1xi32>
    %select_n3A_738 = arith.select %gt3A_734, %slice3A_733, %add3A_737 : vector<32x1xi1>, vector<32x1xi32>
    %slice3A_739 = vector.extract_strided_slice %convert_element_type3A_716 {offsets = [0, 4], sizes = [32, 1], strides = [1, 1]} : vector<32x12xi32> to vector<32x1xi32>
    %gt3A_740 = arith.cmpi sgt, %slice3A_739, %select_n3A_738 : vector<32x1xi32>
    %add3A_741 = arith.constant 1 : i32
    %add3A_742 = vector.broadcast %add3A_741 : i32 to vector<32x1xi32>
    %add3A_743 = arith.addi %select_n3A_738, %add3A_742 : vector<32x1xi32>
    %select_n3A_744 = arith.select %gt3A_740, %slice3A_739, %add3A_743 : vector<32x1xi1>, vector<32x1xi32>
    %slice3A_745 = vector.extract_strided_slice %convert_element_type3A_716 {offsets = [0, 5], sizes = [32, 1], strides = [1, 1]} : vector<32x12xi32> to vector<32x1xi32>
    %gt3A_746 = arith.cmpi sgt, %slice3A_745, %select_n3A_744 : vector<32x1xi32>
    %add3A_747 = arith.constant 1 : i32
    %add3A_748 = vector.broadcast %add3A_747 : i32 to vector<32x1xi32>
    %add3A_749 = arith.addi %select_n3A_744, %add3A_748 : vector<32x1xi32>
    %select_n3A_750 = arith.select %gt3A_746, %slice3A_745, %add3A_749 : vector<32x1xi1>, vector<32x1xi32>
    %slice3A_751 = vector.extract_strided_slice %convert_element_type3A_716 {offsets = [0, 6], sizes = [32, 1], strides = [1, 1]} : vector<32x12xi32> to vector<32x1xi32>
    %gt3A_752 = arith.cmpi sgt, %slice3A_751, %select_n3A_750 : vector<32x1xi32>
    %add3A_753 = arith.constant 1 : i32
    %add3A_754 = vector.broadcast %add3A_753 : i32 to vector<32x1xi32>
    %add3A_755 = arith.addi %select_n3A_750, %add3A_754 : vector<32x1xi32>
    %select_n3A_756 = arith.select %gt3A_752, %slice3A_751, %add3A_755 : vector<32x1xi1>, vector<32x1xi32>
    %slice3A_757 = vector.extract_strided_slice %convert_element_type3A_716 {offsets = [0, 7], sizes = [32, 1], strides = [1, 1]} : vector<32x12xi32> to vector<32x1xi32>
    %gt3A_758 = arith.cmpi sgt, %slice3A_757, %select_n3A_756 : vector<32x1xi32>
    %add3A_759 = arith.constant 1 : i32
    %add3A_760 = vector.broadcast %add3A_759 : i32 to vector<32x1xi32>
    %add3A_761 = arith.addi %select_n3A_756, %add3A_760 : vector<32x1xi32>
    %select_n3A_762 = arith.select %gt3A_758, %slice3A_757, %add3A_761 : vector<32x1xi1>, vector<32x1xi32>
    %slice3A_763 = vector.extract_strided_slice %convert_element_type3A_716 {offsets = [0, 8], sizes = [32, 1], strides = [1, 1]} : vector<32x12xi32> to vector<32x1xi32>
    %gt3A_764 = arith.cmpi sgt, %slice3A_763, %select_n3A_762 : vector<32x1xi32>
    %add3A_765 = arith.constant 1 : i32
    %add3A_766 = vector.broadcast %add3A_765 : i32 to vector<32x1xi32>
    %add3A_767 = arith.addi %select_n3A_762, %add3A_766 : vector<32x1xi32>
    %select_n3A_768 = arith.select %gt3A_764, %slice3A_763, %add3A_767 : vector<32x1xi1>, vector<32x1xi32>
    %slice3A_769 = vector.extract_strided_slice %convert_element_type3A_716 {offsets = [0, 9], sizes = [32, 1], strides = [1, 1]} : vector<32x12xi32> to vector<32x1xi32>
    %gt3A_770 = arith.cmpi sgt, %slice3A_769, %select_n3A_768 : vector<32x1xi32>
    %add3A_771 = arith.constant 1 : i32
    %add3A_772 = vector.broadcast %add3A_771 : i32 to vector<32x1xi32>
    %add3A_773 = arith.addi %select_n3A_768, %add3A_772 : vector<32x1xi32>
    %select_n3A_774 = arith.select %gt3A_770, %slice3A_769, %add3A_773 : vector<32x1xi1>, vector<32x1xi32>
    %slice3A_775 = vector.extract_strided_slice %convert_element_type3A_716 {offsets = [0, 10], sizes = [32, 1], strides = [1, 1]} : vector<32x12xi32> to vector<32x1xi32>
    %gt3A_776 = arith.cmpi sgt, %slice3A_775, %select_n3A_774 : vector<32x1xi32>
    %add3A_777 = arith.constant 1 : i32
    %add3A_778 = vector.broadcast %add3A_777 : i32 to vector<32x1xi32>
    %add3A_779 = arith.addi %select_n3A_774, %add3A_778 : vector<32x1xi32>
    %select_n3A_780 = arith.select %gt3A_776, %slice3A_775, %add3A_779 : vector<32x1xi1>, vector<32x1xi32>
    %slice3A_781 = vector.extract_strided_slice %convert_element_type3A_716 {offsets = [0, 11], sizes = [32, 1], strides = [1, 1]} : vector<32x12xi32> to vector<32x1xi32>
    %gt3A_782 = arith.cmpi sgt, %slice3A_781, %select_n3A_780 : vector<32x1xi32>
    %add3A_783 = arith.constant 1 : i32
    %add3A_784 = vector.broadcast %add3A_783 : i32 to vector<32x1xi32>
    %add3A_785 = arith.addi %select_n3A_780, %add3A_784 : vector<32x1xi32>
    %select_n3A_786 = arith.select %gt3A_782, %slice3A_781, %add3A_785 : vector<32x1xi1>, vector<32x1xi32>
    %concatenate3A_787 = tpu.concatenate %max3A_720, %select_n3A_726, %select_n3A_732, %select_n3A_738, %select_n3A_744, %select_n3A_750, %select_n3A_756, %select_n3A_762, %select_n3A_768, %select_n3A_774, %select_n3A_780, %select_n3A_786 in 1 : vector<32x1xi32>, vector<32x1xi32>, vector<32x1xi32>, vector<32x1xi32>, vector<32x1xi32>, vector<32x1xi32>, vector<32x1xi32>, vector<32x1xi32>, vector<32x1xi32>, vector<32x1xi32>, vector<32x1xi32>, vector<32x1xi32> -> vector<32x12xi32>
    %iota3A_788 = tpu.iota {dimensions = array<i32: 1>} : vector<32x12xi32>
    %add3A_789 = arith.constant 84 : i32
    %add3A_790 = vector.broadcast %add3A_789 : i32 to vector<32x12xi32>
    %add3A_791 = arith.addi %add3A_790, %iota3A_788 : vector<32x12xi32>
    %min3A_792 = arith.minsi %concatenate3A_787, %add3A_791 : vector<32x12xi32>
    %max3A_793 = arith.constant 0 : i32
    %max3A_794 = vector.broadcast %max3A_793 : i32 to vector<32x12xi32>
    %max3A_795 = arith.maxsi %min3A_792, %max3A_794 : vector<32x12xi32>
    %mul3A_796 = arith.constant 32 : i32
    %mul3A_797 = arith.muli %arg0, %mul3A_796 : i32
    %iota3A_798 = tpu.iota {dimensions = array<i32: 0>} : vector<32x12xi32>
    %add3A_799 = vector.broadcast %mul3A_797 : i32 to vector<32x12xi32>
    %add3A_800 = arith.addi %add3A_799, %iota3A_798 : vector<32x12xi32>
    %mul3A_801 = arith.constant 96 : i32
    %mul3A_802 = vector.broadcast %mul3A_801 : i32 to vector<32x12xi32>
    %mul3A_803 = arith.muli %add3A_800, %mul3A_802 : vector<32x12xi32>
    %add3A_804 = arith.addi %max3A_795, %mul3A_803 : vector<32x12xi32>
    %swap3A_805 = arith.constant 0 : index
    %swap3A_806 = arith.constant 0 : index
    %swap3A_807 = vector.load %arg7[%swap3A_805, %swap3A_806] : memref<32x12xi32, #tpu.memory_space<vmem>>, vector<32x12xi32>
    tpu.vector_store %arg7[%swap3A_805, %swap3A_806], %add3A_804 {strides = array<i32>} : memref<32x12xi32, #tpu.memory_space<vmem>>, vector<32x12xi32>,
    return
  }
  func.func @transform_0(%arg0: i32) -> (i32, i32) {
    %c0_i32 = arith.constant 0 : i32
    %c0_i32_0 = arith.constant 0 : i32
    return %arg0, %c0_i32 : i32, i32
  }
  func.func @transform_1(%arg0: i32) -> (i32, i32, i32) {
    %c0_i32 = arith.constant 0 : i32
    %c0_i32_0 = arith.constant 0 : i32
    %c0_i32_1 = arith.constant 0 : i32
    return %arg0, %c0_i32, %c0_i32_0 : i32, i32, i32
  }
  func.func @transform_2(%arg0: i32) -> (i32, i32, i32) {
    %c0_i32 = arith.constant 0 : i32
    %c0_i32_0 = arith.constant 0 : i32
    %c0_i32_1 = arith.constant 0 : i32
    return %arg0, %c0_i32, %c0_i32_0 : i32, i32, i32
  }
  func.func @transform_3(%arg0: i32) -> (i32, i32) {
    %c0_i32 = arith.constant 0 : i32
    %c0_i32_0 = arith.constant 0 : i32
    %c0_i32_1 = arith.constant 0 : i32
    return %c0_i32, %c0_i32_0 : i32, i32
  }
  func.func @transform_4(%arg0: i32) -> (i32, i32) {
    %c0_i32 = arith.constant 0 : i32
    %c0_i32_0 = arith.constant 0 : i32
    %c0_i32_1 = arith.constant 0 : i32
    return %c0_i32, %c0_i32_0 : i32, i32
  }
  func.func @transform_5(%arg0: i32) -> (i32, i32) {
    %c0_i32 = arith.constant 0 : i32
    %c0_i32_0 = arith.constant 0 : i32
    return %arg0, %c0_i32 : i32, i32
  }
  func.func @transform_6(%arg0: i32) -> (i32, i32) {
    %c0_i32 = arith.constant 0 : i32
    %c0_i32_0 = arith.constant 0 : i32
    return %arg0, %c0_i32 : i32, i32
  }
}

</mosaic_0001>

<sc_bundles>
// kernel: kernel.4.cloned.1.call-start
scs
__scs_entry_jumppad:
0x0: {  	(pc) =	sbr.rel $0x88, $3  }
0x1: {  	(tag) =	ssettag $0x0;
	lr =	simm.s32 $0x1  }
0x2: {  	[smem:$0x3F9E] =	sst lr;
	_ =	strace $0xD0000000  }
0x3: {  	_ = 	snop  }
0x4: {  	_ = 	snop  }
0x5: {  	_ = 	snop  }
0x6: {  	_ = 	snop  }
0x7: {  	_ = 	snop  }
__scs_overlays_trampoline_lowered:
0x8: {  	[smem:$0x3FAD] =	sst s0  }
0x9: {  	[smem:$0x3FAE] =	sst s1  }
0xa: {  	[smem:$0x3FAF] =	sst s2  }
0xb: {  	[smem:$0x3FB0] =	sst s3  }
0xc: {  	[smem:$0x3FB1] =	sst s4  }
0xd: {  	[smem:$0x3FB2] =	sst s5  }
0xe: {  	[smem:$0x3FB3] =	sst s6  }
0xf: {  	[smem:$0x3FB4] =	sst s7  }
0x10: {  	[smem:$0x3FB5] =	sst s8  }
0x11: {  	[smem:$0x3FB6] =	sst s9;
	s0 =	simm.s32 @!p0 $0x0  }
0x12: {  	s1 =	sld [smem:$0x3F9C];
	s0 =	simm.s32 @p0 $0x1  }
0x13: {  	[smem:$0x3FB7] =	sst s0;
	s0 =	simm.s32 @!p1 $0x0  }
0x14: {  	s2 =	sld [smem:$0x3F9B];
	s0 =	simm.s32 @p1 $0x1  }
0x15: {  	[smem:$0x3FB8] =	sst s0;
	s0 =	simm.s32 @!p2 $0x0  }
0x16: {  	s3 =	sld [smem:$0x3FDB];
	s0 =	simm.s32 @p2 $0x1  }
0x17: {  	s4 =	simm.s32 $0x1BF5;
	[smem:$0x3FBA] =	sst s0  }
0x18: {  	s0 =	sld [smem:$0x3F9D];
	_ =	swait.ge [sflag:s4], $0x0  }
0x19: {  	s7 =	sld [smem:$0x3F9E]  }
0x1a: {  	s8 =	sadd.s32 $0xFFFFE003, lr  }
0x1b: {  	s9 =	sadd.s32 $0xFFFFFEF7, lr;
	s5 =	simm.s32 $0xFFFFFFFF;
	p2 =	slt.u32 s8, $0xFFFFF086  }
0x1c: {  	p1 =	slt.u32 s9, $0xF7A;
	s5 =	simm.s32 @!p2 $0x0  }
0x1d: {  	s5 =	simm.s32 @p1 $0x1;
	p0 =	seq.s32 s7, s2  }
0x1e: {  	s7 =	smul.u32 @!p0 $0xF7A, s2;
	p2 =	seq.s32 @!p0 s5, $0x0  }
0x1f: {  	s9 =	smul.u32 $0xF7A, s1;
	s8 =	simm.s32 @!p0 $0x1BF5;
	p2 =	por !p2, p0  }
0x20: {  	[sflag:s8] =	ssyncset.s32 @!p0 $0xFFFFF086;
	s6 =	sadd.s32 @!p0 s3, s7;
	s7 =	simm.s32 @!p0 $0x108  }
0x21: {  	s3 =	sadd.s32 s3, s9;
	s6 =	sadd.s32 @!p0 $0x88, s6;
	s7 =	simm.s32 @p2 $0x1082  }
0x22: {  	[simem:s7], [sflag:s8] =	dma.local @!p0 [hbm:s6], $0xF7A  }
0x23: {  	s9 =	sor.u32 $0xD0000000, s2;
	s6 =	simm.s32 $0x108;
	_ =	swait.ge @!p0 [sflag:s8], $0x0  }
0x24: {  	s3 =	sadd.s32 $0x88, s3;
	s6 =	simm.s32 @!p1 $0x1082;
	[sflag:s4] =	ssyncset.s32 $0xFFFFF086  }
0x25: {  	[simem:s6], [sflag:s4] =	dma.local [hbm:s3], $0xF7A  }
0x26: {  	[smem:$0x3F9E] =	sst s1;
	(tag) =	ssettag s2;
	_ =	strace s9  }
0x27: {  	s1 =	sld [smem:$0x3FAE]  }
0x28: {  	s2 =	sld [smem:$0x3FAF]  }
0x29: {  	s4 =	sld [smem:$0x3FB1]  }
0x2a: {  	p0 =	seq.s32 s5, $0x0;
	s5 =	sld [smem:$0x3FB2]  }
0x2b: {  	s6 =	sld [smem:$0x3FB3]  }
0x2c: {  	s7 =	sld [smem:$0x3FB4]  }
0x2d: {  	s3 =	simm.s32 $0x108;
	s8 =	sld [smem:$0x3FB5]  }
0x2e: {  	s3 =	simm.s32 @!p0 $0x1082;
	s9 =	sld [smem:$0x3FB6]  }
0x2f: {  	lr =	sadd.s32 s0, s3;
	s0 =	sld [smem:$0x3FAD]  }
0x30: {  	s3 =	sld [smem:$0x3FB0]  }
0x31: {  	[smem:$0x3FB9] =	sst s10  }
0x32: {  	s10 =	sld [smem:$0x3FB7];
	_ =	sdelay $0x3  }
0x33: {  	p0 =	seq.s32 s10, $0x1;
	s10 =	sld [smem:$0x3FB9];
	_ =	sdelay $0x3  }
0x34: {  	[smem:$0x3FB9] =	sst s10  }
0x35: {  	s10 =	sld [smem:$0x3FB8];
	_ =	sdelay $0x3  }
0x36: {  	p1 =	seq.s32 s10, $0x1;
	s10 =	sld [smem:$0x3FB9];
	_ =	sdelay $0x3  }
0x37: {  	[smem:$0x3FB9] =	sst s10  }
0x38: {  	s10 =	sld [smem:$0x3FBA]  }
0x39: {  	_ = 	snop;
	(pc) =	sbr.ind lr, $3  }
0x3a: {  	_ = 	snop  }
0x3b: {  	_ = 	snop  }
0x3c: {  	p2 =	seq.s32 s10, $0x1;
	s10 =	sld [smem:$0x3FB9]  }
0x3d: {  	_ =	shalt  }
0x3e: {  	_ =	shalt  }
0x3f: {  	_ =	shalt  }
0x40: {  	_ =	shalt  }
0x41: {  	_ =	shalt  }
0x42: {  	_ =	shalt  }
0x43: {  	_ =	shalt  }
0x44: {  	_ =	shalt  }
0x45: {  	_ =	shalt  }
0x46: {  	_ =	shalt  }
0x47: {  	_ =	shalt  }
0x48: {  	_ =	shalt  }
0x49: {  	_ =	shalt  }
0x4a: {  	_ =	shalt  }
0x4b: {  	_ =	shalt  }
0x4c: {  	_ =	shalt  }
0x4d: {  	_ =	shalt  }
0x4e: {  	_ =	shalt  }
0x4f: {  	_ =	shalt  }
0x50: {  	_ =	shalt  }
0x51: {  	_ =	shalt  }
0x52: {  	_ =	shalt  }
0x53: {  	_ =	shalt  }
0x54: {  	_ =	shalt  }
0x55: {  	_ =	shalt  }
0x56: {  	_ =	shalt  }
0x57: {  	_ =	shalt  }
0x58: {  	_ =	shalt  }
0x59: {  	_ =	shalt  }
0x5a: {  	_ =	shalt  }
0x5b: {  	_ =	shalt  }
0x5c: {  	_ =	shalt  }
0x5d: {  	_ =	shalt  }
0x5e: {  	_ =	shalt  }
0x5f: {  	_ =	shalt  }
0x60: {  	_ =	shalt  }
0x61: {  	_ =	shalt  }
0x62: {  	_ =	shalt  }
0x63: {  	_ =	shalt  }
0x64: {  	_ =	shalt  }
0x65: {  	_ =	shalt  }
0x66: {  	_ =	shalt  }
0x67: {  	_ =	shalt  }
0x68: {  	_ =	shalt  }
0x69: {  	_ =	shalt  }
0x6a: {  	_ =	shalt  }
0x6b: {  	_ =	shalt  }
0x6c: {  	_ =	shalt  }
0x6d: {  	_ =	shalt  }
0x6e: {  	_ =	shalt  }
0x6f: {  	_ =	shalt  }
0x70: {  	_ =	shalt  }
0x71: {  	_ =	shalt  }
0x72: {  	_ =	shalt  }
0x73: {  	_ =	shalt  }
0x74: {  	_ =	shalt  }
0x75: {  	_ =	shalt  }
0x76: {  	_ =	shalt  }
0x77: {  	_ =	shalt  }
0x78: {  	_ =	shalt  }
0x79: {  	_ =	shalt  }
0x7a: {  	_ =	shalt  }
0x7b: {  	_ =	shalt  }
0x7c: {  	_ =	shalt  }
0x7d: {  	_ =	shalt  }
0x7e: {  	_ =	shalt  }
0x7f: {  	_ =	shalt  }
0x80: {  	_ =	shalt  }
0x81: {  	_ =	shalt  }
0x82: {  	_ =	shalt  }
0x83: {  	_ =	shalt  }
0x84: {  	_ =	shalt  }
0x85: {  	_ =	shalt  }
0x86: {  	_ =	shalt  }
0x87: {  	_ =	shalt  }
.Lfunc_end0:
.L_simem_size_0:
called_computation_lowered:
.L_overlay_start_0:
0x88: {  	s2 =	sld [smem:$0x3FD9]  }
0x89: {  	s3 =	sld [smem:$0x3FFE];
	_ =	sdelay $0x1  }
0x8a: {  	s1 =	srdreg.scid  }
0x8b: {  	s0 =	sand.u32 $0x1, s1  }
0x8c: {  	s17 =	sshll.u32 s0, $0xA;
	s2 =	sadd.s32 s3, s2  }
0x8d: {  	s2 =	sadd.s32 s2, s17  }
0x8e: {  	[smem:$0x3FC5] =	sst s2  }
0x8f: {  	_ = 	snop  }
0x90: {  	s2 =	sld [smem:$0x3FC7]  }
0x91: {  	s18 =	sld [smem:$0x3FD0];
	(tm) =	ssettm $0x1  }
0x92: {  	s4 =	sld [smem:$0x3FFB];
	_ =	sdelay $0x3  }
0x93: {  	_ =	strace s4  }
0x94: {  	s4 =	sld [smem:$0x3FFC];
	_ =	sdelay $0x3  }
0x95: {  	_ =	strace s4  }
0x96: {  	s4 =	sld [smem:$0x3FFD];
	_ =	sdelay $0x3  }
0x97: {  	_ =	strace s4  }
0x98: {  	_ =	strace $0x8FFFFFFF  }
0x99: {  	s19 =	sld [smem:$0x3FDB];
	_ =	sdelay $0x1  }
0x9a: {  	s5 =	simm.s32 $_scs_section_size  }
0x9b: {  	s6 =	simm.s32 $_size__tile_overlayer_lowered;
	s7 =	simm.s32 $_tile_overlayer_lowered  }
0x9c: {  	s22 =	simm.s32 $0x1BFF;
	s21 =	sshll.u32 s7, $0x1;
	s4 =	sadd.s32 s5, s19  }
0x9d: {  	s8 =	simm.s32 $0x0;
	s20 =	sshll.u32 s6, $0x1;
	s6 =	sadd.s32 s21, s4  }
0x9e: {  	[timem:s8], [sflag:s22] =	dma.local [hbm:s6], s20  }
0x9f: {  	_ =	swait.ge [sflag:s22], s20  }
0xa0: {  	s5 =	ssub.s32 $0x0, s20;
	[sflag:s22] =	ssyncset.done $0x0  }
0xa1: {  	[sflag:s22] =	ssyncadd.s32 s5;
	_ =	sdelay $0x1  }
0xa2: {  	s23 =	simm.s32 $0x1B8B  }
0xa3: {  	_ =	swait.ge [sflag:s23], $0x1  }
0xa4: {  	[sflag:s23] =	ssyncset.done $0x0  }
0xa5: {  	s25 =	simm.s32 $0x1B8E;
	s24 =	sld [smem:$0x3FFE];
	[sflag:s23] =	ssyncadd.s32 $0xFFFFFFFF  }
0xa6: {  	s26 =	simm.s32 $execute0_lowered;
	[smem:$0x3FD2] =	sst s25  }
0xa7: {  	s6 =	sshll.u32 s26, $0x1;
	_ =	strace $0x80000046;
	[dreg:$0x1] =	wrdreg $0xFFFFFFFF  }
0xa8: {  	s28 =	simm.s32 $_size_execute0_lowered;
	s4 =	sadd.s32 s4, s6;
	[dreg:$0x0] =	wrdreg $0x0  }
0xa9: {  	s6 =	sshll.u32 s28, $0x1;
	[dreg:$0x2] =	wrdreg s4  }
0xaa: {  	[dreg:$0x3] =	wrdreg s6  }
0xab: {  	[dreg:$0x4] =	wrdreg $0xC0  }
0xac: {  	_ =	task [dreg:s8], $0x5FFFF  }
0xad: {  	[dreg:$0x1] =	wrdreg $0xFFFFFFFF  }
0xae: {  	[dreg:$0x0] =	wrdreg $0x60  }
0xaf: {  	[dreg:$0x2] =	wrdreg s2  }
0xb0: {  	[dreg:$0x3] =	wrdreg s24  }
0xb1: {  	[dreg:$0x4] =	wrdreg s18  }
0xb2: {  	[dreg:$0x5] =	wrdreg $0x9  }
0xb3: {  	_ =	task.clear_ibuf [dreg:s8], $0x6FFFF;
	_ =	strace $0x90000046  }
0xb4: {  	s29 =	simm.s32 $0x9;
	_ =	strace $0x80000048  }
0xb5: {  	_ =	swait.ge [sflag:s29], $0x1  }
0xb6: {  	[sflag:s29] =	ssyncadd.s32 $0xFFFFFFFF  }
0xb7: {  	_ =	strace $0x90000048  }
0xb8: {  	_ =	sfence  }
0xb9: {  	s30 =	sld [smem:$0x0];
	_ =	sdelay $0x2  }
0xba: {  	s31 =	sshll.u32 s1, $0xD;
	s1 =	sshrl.u32 s1, $0x2  }
0xbb: {  	s3 =	sand.u32 $0x4000, s31;
	s1 =	sadd.s32 s1, s30  }
0xbc: {  	s0 =	sor.u32 s3, s0;
	s1 =	sshll.u32 s1, $0x11  }
0xbd: {  	s0 =	sor.u32 s1, s0  }
0xbe: {  	s0 =	sadd.s32 $0x8F2B, s0  }
0xbf: {  	[sflag:s0] =	ssyncadd.remote.s32 $0x1  }
0xc0: {  	_ =	sfence.sel $0xFFFF  }
0xc1: {  	[dreg:$0x0] =	wrdreg $0xFFFFFFFF;
	(pc) =	sbr.abs _section_cstart, $3  }
0xc2: {  	[dreg:$0x1] =	wrdreg $0xFFFFFFFF  }
0xc3: {  	_ =	task.clear_ibuf [dreg:s8], $0x2FFFF;
	_ =	strace $0x9FFFFFFF  }
0xc4: {  	(tm) =	ssettm $0x7FFFFFFF  }
0xc5: {  	_ =	shalt  }
tec
execute0_lowered:
.L_overlay_start_1:
0x0: {  	(tag) =	ssettag $0x1  }
0x1: {  	s2 =	rddreg [dreg:$0x0]  }
0x2: {  	s1 =	srdreg.scid;
	s4 =	rddreg [dreg:$0x1]  }
0x3: {  	s0 =	stileid.u32;
	s6 =	rddreg [dreg:$0x2]  }
0x4: {  	s15 =	simm.s32 $0x880;
	s1 =	sand.u32 $0x1, s1;
	s3 =	sshll.u32 s0, $0x1  }
0x5: {  	s16 =	simm.s32 $0x1080;
	s17 =	simm.s32 $0x1880;
	s3 =	sor.u32 s1, s3  }
0x6: {  	s18 =	simm.s32 $0x2080;
	s5 =	smul.u32 $0x30, s3;
	s3 =	simm.s32 $0x0  }
0x7: {  	s19 =	simm.s32 $0x2880;
	s21 =	simm.s32 $0x3080;
	[smem:$0x7FF] =	sst s3  }
0x8: {  	s22 =	simm.s32 $0x3880;
	_ =	strace $0x80000047;
	[dreg:$0x8] =	wrdreg s15  }
0x9: {  	s23 =	simm.s32 $0x4080;
	s24 =	simm.s32 $0x4880;
	[dreg:$0x9] =	wrdreg s16  }
0xa: {  	s25 =	simm.s32 $0x5080;
	s9 =	simm.s32 $0x5880;
	[dreg:$0xa] =	wrdreg s17  }
0xb: {  	s26 =	simm.s32 $0x6080;
	s10 =	simm.s32 $0x80;
	[dreg:$0xb] =	wrdreg s18  }
0xc: {  	s28 =	simm.s32 $0xE880;
	s29 =	simm.s32 $0x200;
	[dreg:$0xc] =	wrdreg s19  }
0xd: {  	s30 =	simm.s32 $0x400;
	s7 =	smul.u32 $0x2800, s0;
	[dreg:$0xd] =	wrdreg s21  }
0xe: {  	s31 =	simm.s32 $0xF080;
	s8 =	sshll.u32 s1, $0x9;
	[dreg:$0xe] =	wrdreg s22  }
0xf: {  	s1 =	ssub.s32 $0x2, s1;
	s7 =	sor.u32 s8, s7;
	[dreg:$0xf] =	wrdreg s23  }
0x10: {  	s20 =	sshrl.u32 s1, $0x1;
	s7 =	sshrl.u32 s7, $0x3;
	[dreg:$0x10] =	wrdreg s24  }
0x11: {  	s1 =	ssub.s32 s1, s20;
	s20 =	simm.s32 $0xB080;
	[dreg:$0x11] =	wrdreg s25  }
0x12: {  	s5 =	sshrl.u32 s5, $0x3;
	s13 =	sadd.s32 s6, s7;
	[dreg:$0x12] =	wrdreg s9  }
0x13: {  	s9 =	simm.s32 $0x2;
	[dreg:$0x13] =	wrdreg s26;
	s15 =	simm.s32 $0x8880  }
0x14: {  	s16 =	simm.s32 $0x9080;
	s17 =	simm.s32 $0x9880;
	s18 =	simm.s32 $0xA080  }
0x15: {  	s19 =	simm.s32 $0xA880;
	s21 =	simm.s32 $0xB880;
	s22 =	simm.s32 $0xC080  }
0x16: {  	s23 =	simm.s32 $0xC880;
	s24 =	simm.s32 $0xD080;
	s25 =	simm.s32 $0xD880  }
0x17: {  	s26 =	simm.s32 $0xE080;
	s12 =	sadd.s32 s5, s4;
	s4 =	sadd.s32 s7, s4  }
0x18: {  	s5 =	smul.u32 $0x500, s5;
	[dreg:$0x6] =	wrdreg s13;
	s8 =	sadd.s32 $0x5800, s12  }
0x19: {  	s7 =	sadd.s32 $0x400, s2;
	s4 =	sadd.s32 $0x800, s4;
	[dreg:$0x4] =	wrdreg s8  }
0x1a: {  	s13 =	simm.s32 $0x7880;
	s12 =	simm.s32 $0x7080;
	[dreg:$0x5] =	wrdreg s4  }
0x1b: {  	v2 =	vlaneseq.u32;
	s5 =	sadd.s32 s6, s5;
	s4 =	sadd.s32 $0x100, s2;
	s6 =	sadd.s32 $0x300, s2  }
0x1c: {  	vm0 =	vmmov $0xffff;
	v1 =	vshrl.u32 v2, $0x3;
	s8 =	smax.u32 s1, $0x1;
	s1 =	simm.s32 $0x1;
	s14 =	sadd.s32 $0x5000, s5  }
0x1d: {  	v0 =	vand.u32 $0x7, v2;
	v2 =	vor.u32 $0x8, v2;
	v1 =	vmul.u32 $0x8, v1;
	s5 =	sadd.s32 $0x200, s2;
	[dreg:$0x7] =	wrdreg s14;
	s14 =	simm.s32 $0x8080  }
.LBB2_1:
0x1e: {  	s0 =	rddreg [dreg:$0x4]  }
0x1f: {  	[tilespmem:s3], [sflag:$0x2] =	stream.linear.gather [hbm4b:s0+s3], $0x30, $0x38;
	[tilespmem:$0x10480] =	vst v63  }
0x20: {  	_ =	swait.ge [sflag:s9], $0x30  }
0x21: {  	[sflag:s9] =	ssyncset.done $0x0  }
0x22: {  	[sflag:s9] =	ssyncadd.s32 $0xFFFFFFD0  }
0x23: {  	v3 =	vld [tilespmem:$0x0];
	_ =	sdelay $0x4  }
0x24: {  	v4 =	vshrl.u32 v3, $0x3  }
0x25: {  	v4 =	vmul.u32 $0x50, v4  }
0x26: {  	v3 =	vand.u32 $0x7, v3  }
0x27: {  	v3 =	vor.u32 v3, v4  }
0x28: {  	v4 =	vperm.xlane v3, v0;
	_ =	sdelay $0x1  }
0x29: {  	v4 =	vadd.s32 v1, v4;
	_ =	sdelay $0x4  }
0x2a: {  	[tilespmem:s10], [sflag:$0x1] =	stream.indirect_vreg.gather [hbm4b:s2+s3], $0x80, v4, vm0, $0xb8;
	[tilespmem:$0x10480] =	vst v63  }
0x2b: {  	s0 =	rddreg [dreg:$0x8]  }
0x2c: {  	[tilespmem:s0], [sflag:$0x1] =	stream.indirect_vreg.gather [hbm4b:s4+s3], $0x80, v4, vm0, $0xb8;
	[tilespmem:$0x10480] =	vst v63  }
0x2d: {  	s11 =	rddreg [dreg:$0x9];
	v3 =	vperm.xlane v3, v2  }
0x2e: {  	[tilespmem:s11], [sflag:$0x1] =	stream.indirect_vreg.gather [hbm4b:s5+s3], $0x80, v4, vm0, $0xb8;
	[tilespmem:$0x10480] =	vst v63  }
0x2f: {  	v3 =	vadd.s32 v1, v3;
	s0 =	rddreg [dreg:$0xa]  }
0x30: {  	[tilespmem:s0], [sflag:$0x1] =	stream.indirect_vreg.gather [hbm4b:s6+s3], $0x80, v4, vm0, $0xb8;
	[tilespmem:$0x10480] =	vst v63  }
0x31: {  	s11 =	rddreg [dreg:$0xb]  }
0x32: {  	[tilespmem:s11], [sflag:$0x1] =	stream.indirect_vreg.gather [hbm4b:s7+s3], $0x80, v4, vm0, $0xb8;
	[tilespmem:$0x10480] =	vst v63  }
0x33: {  	s0 =	rddreg [dreg:$0xc]  }
0x34: {  	[tilespmem:s0], [sflag:$0x1] =	stream.indirect_vreg.gather [hbm4b:s2+s3], $0x80, v3, vm0, $0xb8;
	[tilespmem:$0x10480] =	vst v63  }
0x35: {  	s11 =	rddreg [dreg:$0xd]  }
0x36: {  	[tilespmem:s11], [sflag:$0x1] =	stream.indirect_vreg.gather [hbm4b:s4+s3], $0x80, v3, vm0, $0xb8;
	[tilespmem:$0x10480] =	vst v63  }
0x37: {  	s0 =	rddreg [dreg:$0xe]  }
0x38: {  	[tilespmem:s0], [sflag:$0x1] =	stream.indirect_vreg.gather [hbm4b:s5+s3], $0x80, v3, vm0, $0xb8;
	[tilespmem:$0x10480] =	vst v63  }
0x39: {  	s11 =	rddreg [dreg:$0xf]  }
0x3a: {  	[tilespmem:s11], [sflag:$0x1] =	stream.indirect_vreg.gather [hbm4b:s6+s3], $0x80, v3, vm0, $0xb8;
	[tilespmem:$0x10480] =	vst v63  }
0x3b: {  	s0 =	rddreg [dreg:$0x10]  }
0x3c: {  	[tilespmem:s0], [sflag:$0x1] =	stream.indirect_vreg.gather [hbm4b:s7+s3], $0x80, v3, vm0, $0xb8;
	[tilespmem:$0x10480] =	vst v63  }
0x3d: {  	v3 =	vld [tilespmem:$0x10];
	_ =	sdelay $0x4  }
0x3e: {  	v62 =	vshrl.u32 v3, $0x3  }
0x3f: {  	v4 =	vmul.u32 $0x50, v62  }
0x40: {  	v3 =	vand.u32 $0x7, v3  }
0x41: {  	v3 =	vor.u32 v3, v4  }
0x42: {  	v4 =	vperm.xlane v3, v0;
	_ =	sdelay $0x1  }
0x43: {  	v4 =	vadd.s32 v1, v4;
	_ =	sdelay $0x3  }
0x44: {  	s0 =	rddreg [dreg:$0x11]  }
0x45: {  	[tilespmem:s0], [sflag:$0x1] =	stream.indirect_vreg.gather [hbm4b:s2+s3], $0x80, v4, vm0, $0xb8;
	[tilespmem:$0x10480] =	vst v63  }
0x46: {  	s11 =	rddreg [dreg:$0x12]  }
0x47: {  	[tilespmem:s11], [sflag:$0x1] =	stream.indirect_vreg.gather [hbm4b:s4+s3], $0x80, v4, vm0, $0xb8;
	[tilespmem:$0x10480] =	vst v63  }
0x48: {  	v3 =	vperm.xlane v3, v2;
	s0 =	rddreg [dreg:$0x13]  }
0x49: {  	[tilespmem:s0], [sflag:$0x1] =	stream.indirect_vreg.gather [hbm4b:s5+s3], $0x80, v4, vm0, $0xb8;
	[tilespmem:$0x10480] =	vst v63  }
0x4a: {  	v3 =	vadd.s32 v1, v3;
	s11 =	simm.s32 $0x6880  }
0x4b: {  	[tilespmem:s11], [sflag:$0x1] =	stream.indirect_vreg.gather [hbm4b:s6+s3], $0x80, v4, vm0, $0xb8;
	[tilespmem:$0x10480] =	vst v63  }
0x4c: {  	_ = 	snop  }
0x4d: {  	[tilespmem:s12], [sflag:$0x1] =	stream.indirect_vreg.gather [hbm4b:s7+s3], $0x80, v4, vm0, $0xb8;
	[tilespmem:$0x10480] =	vst v63  }
0x4e: {  	_ = 	snop  }
0x4f: {  	[tilespmem:s13], [sflag:$0x1] =	stream.indirect_vreg.gather [hbm4b:s2+s3], $0x80, v3, vm0, $0xb8;
	[tilespmem:$0x10480] =	vst v63  }
0x50: {  	_ = 	snop  }
0x51: {  	[tilespmem:s14], [sflag:$0x1] =	stream.indirect_vreg.gather [hbm4b:s4+s3], $0x80, v3, vm0, $0xb8;
	[tilespmem:$0x10480] =	vst v63  }
0x52: {  	_ = 	snop  }
0x53: {  	[tilespmem:s15], [sflag:$0x1] =	stream.indirect_vreg.gather [hbm4b:s5+s3], $0x80, v3, vm0, $0xb8;
	[tilespmem:$0x10480] =	vst v63  }
0x54: {  	_ = 	snop  }
0x55: {  	[tilespmem:s16], [sflag:$0x1] =	stream.indirect_vreg.gather [hbm4b:s6+s3], $0x80, v3, vm0, $0xb8;
	[tilespmem:$0x10480] =	vst v63  }
0x56: {  	_ = 	snop  }
0x57: {  	[tilespmem:s17], [sflag:$0x1] =	stream.indirect_vreg.gather [hbm4b:s7+s3], $0x80, v3, vm0, $0xb8;
	[tilespmem:$0x10480] =	vst v63  }
0x58: {  	v3 =	vld [tilespmem:$0x20];
	_ =	sdelay $0x4  }
0x59: {  	v63 =	vshrl.u32 v3, $0x3  }
0x5a: {  	v4 =	vmul.u32 $0x50, v63  }
0x5b: {  	v3 =	vand.u32 $0x7, v3  }
0x5c: {  	v3 =	vor.u32 v3, v4  }
0x5d: {  	v4 =	vperm.xlane v3, v0;
	_ =	sdelay $0x1  }
0x5e: {  	v4 =	vadd.s32 v1, v4;
	_ =	sdelay $0x4  }
0x5f: {  	[tilespmem:s18], [sflag:$0x1] =	stream.indirect_vreg.gather [hbm4b:s2+s3], $0x80, v4, vm0, $0xb8;
	[tilespmem:$0x10480] =	vst v63  }
0x60: {  	_ = 	snop  }
0x61: {  	[tilespmem:s19], [sflag:$0x1] =	stream.indirect_vreg.gather [hbm4b:s4+s3], $0x80, v4, vm0, $0xb8;
	[tilespmem:$0x10480] =	vst v63  }
0x62: {  	v3 =	vperm.xlane v3, v2  }
0x63: {  	[tilespmem:s20], [sflag:$0x1] =	stream.indirect_vreg.gather [hbm4b:s5+s3], $0x80, v4, vm0, $0xb8;
	[tilespmem:$0x10480] =	vst v63  }
0x64: {  	v3 =	vadd.s32 v1, v3  }
0x65: {  	[tilespmem:s21], [sflag:$0x1] =	stream.indirect_vreg.gather [hbm4b:s6+s3], $0x80, v4, vm0, $0xb8;
	[tilespmem:$0x10480] =	vst v63  }
0x66: {  	_ = 	snop  }
0x67: {  	[tilespmem:s22], [sflag:$0x1] =	stream.indirect_vreg.gather [hbm4b:s7+s3], $0x80, v4, vm0, $0xb8;
	[tilespmem:$0x10480] =	vst v63  }
0x68: {  	_ = 	snop  }
0x69: {  	[tilespmem:s23], [sflag:$0x1] =	stream.indirect_vreg.gather [hbm4b:s2+s3], $0x80, v3, vm0, $0xb8;
	[tilespmem:$0x10480] =	vst v63  }
0x6a: {  	_ = 	snop  }
0x6b: {  	[tilespmem:s24], [sflag:$0x1] =	stream.indirect_vreg.gather [hbm4b:s4+s3], $0x80, v3, vm0, $0xb8;
	[tilespmem:$0x10480] =	vst v63  }
0x6c: {  	_ = 	snop  }
0x6d: {  	[tilespmem:s25], [sflag:$0x1] =	stream.indirect_vreg.gather [hbm4b:s5+s3], $0x80, v3, vm0, $0xb8;
	[tilespmem:$0x10480] =	vst v63  }
0x6e: {  	_ = 	snop  }
0x6f: {  	[tilespmem:s26], [sflag:$0x1] =	stream.indirect_vreg.gather [hbm4b:s6+s3], $0x80, v3, vm0, $0xb8;
	[tilespmem:$0x10480] =	vst v63  }
0x70: {  	_ = 	snop  }
0x71: {  	[tilespmem:s28], [sflag:$0x1] =	stream.indirect_vreg.gather [hbm4b:s7+s3], $0x80, v3, vm0, $0xb8;
	[tilespmem:$0x10480] =	vst v63  }
0x72: {  	s11 =	rddreg [dreg:$0x5]  }
0x73: {  	[tilespmem:s31], [sflag:$0x2] =	stream.strided.gather [hbm4b:s11+s29], $0x1400, s30, s29, $0x38;
	[tilespmem:$0x10480] =	vst v63  }
0x74: {  	_ =	swait.ge [sflag:s9], $0x1400  }
0x75: {  	[sflag:s9] =	ssyncset.done $0x0  }
0x76: {  	s11 =	rddreg [dreg:$0x6];
	[sflag:s9] =	ssyncadd.s32 $0xFFFFEC00  }
0x77: {  	[hbm4b:s11+s29] =	stream.strided.scatter [tilespmem:s31], [sflag:$0x2], $0x1400, s30, s29, $0x38;
	[tilespmem:$0x10480] =	vst v63  }
0x78: {  	_ =	swait.ge [sflag:s9], $0x1400  }
0x79: {  	[sflag:s9] =	ssyncset.done $0x0  }
0x7a: {  	[sflag:s9] =	ssyncadd.s32 $0xFFFFEC00  }
0x7b: {  	_ =	swait.ge [sflag:s1], $0xF000  }
0x7c: {  	p0 =	sne.s32 s8, $0x1;
	[sflag:s1] =	ssyncset.done $0x0  }
.Ltmp0:
0x7d: {  	s11 =	rddreg [dreg:$0x7];
	[sflag:s1] =	ssyncadd.s32 $0xFFFF1000;
	(pc) =	sbr.rel @p0 .LBB2_1-.Ltmp0, $4  }
0x7e: {  	[hbm4b:s11+s3] =	stream.linear.scatter [tilespmem:s10], [sflag:$0x2], $0xF000, $0x38;
	[tilespmem:$0x10480] =	vst v63  }
0x7f: {  	_ =	swait.ge [sflag:s9], $0xF000  }
0x80: {  	[sflag:s9] =	ssyncset.done $0x0  }
0x81: {  	s8 =	sadd.s32 $0xFFFFFFFF, s8;
	[sflag:s9] =	ssyncadd.s32 $0xFFFF1000  }
0x82: {  	_ =	sfence.sel $0x180000  }
0x83: {  	[bflag:$0x0] =	sbarrier.arrive $0xFFFF  }
0x84: {  	_ =	strace $0x90000047  }
0x85: {  	s0 =	stileid.u32;
	[bflag:$0x2] =	sbarrier.arrive $0xFFFF  }
0x86: {  	p0 =	sne.s32 s0, $0x0;
	s0 =	rddreg [dreg:$0x3]  }
0x87: {  	s0 =	sadd.s32 @!p0 $0x100000, s0  }
0x88: {  	[sflag:s0] =	ssyncadd.tile.s32 @!p0 $0x1;
	_ =	shalt  }
.Lfunc_end2:
_tile_overlayer_lowered:
.L_overlay_start_2:
0x89: {  	(tag) =	ssettag $0x2  }
0x8a: {  	s0 =	rddreg [dreg:$0x0];
	s2 =	stileid.u32  }
0x8b: {  	s1 =	rddreg [dreg:$0x1];
	p0 =	sne.s32 s2, $0x0  }
0x8c: {  	s3 =	rddreg [dreg:$0x2];
	[bflag:$0x3] =	sbarrier.arrive $0xFFFF;
	s2 =	simm.s32 @!p0 $0x1C02  }
0x8d: {  	[timem:s3], [sflag:s2] =	dma.local @!p0 [hbm:s0], s1  }
0x8e: {  	s0 =	simm.s32 @!p0 $0x2  }
0x8f: {  	_ =	swait.ge @!p0 [sflag:s0], s1  }
0x90: {  	s1 =	ssub.s32 @!p0 $0x0, s1;
	[sflag:s0] =	ssyncset.done @!p0 $0x0  }
0x91: {  	[sflag:s0] =	ssyncadd.s32 @!p0 s1  }
0x92: {  	[bflag:$0x3] =	sbarrier.arrive $0xFFFF  }
0x93: {  	_ =	shalt  }

</sc_bundles>
